<compile_context>
chip_gen: v7x
topology: tpu7x:2x2x1
jax: 0.10.2.dev20260603
libtpu: 0.0.44.dev20260713+nightly
codegen_flags: <defaults>
</compile_context>

<pallas_src>
import functools

import jax
import jax.numpy as jnp
from jax import lax
from jax.experimental import pallas as pl
from jax.experimental.pallas import tpu as pltpu
from jax.experimental.pallas import tpu_sc as plsc

_NC = 2
_NS = 16
_NW = _NC * _NS
_K = 4


@functools.partial(jax.jit, static_argnames=("chunk",))
def _sc_lookup(weight, idx_flat, chunk):
    n, = idx_flat.shape
    V, D = weight.shape
    b_per_w = n // _NW
    nchunks = b_per_w // chunk
    assert chunk % 8 == 0
    mesh = plsc.VectorSubcoreMesh(core_axis_name="c", subcore_axis_name="s")

    @functools.partial(
        pl.kernel,
        mesh=mesh,
        out_type=jax.ShapeDtypeStruct((n, D), jnp.float32),
        scratch_types=(
            [pltpu.VMEM((b_per_w,), jnp.int32)]
            + [pltpu.VMEM((chunk, D), jnp.float32)] * 3
            + [pltpu.SemaphoreType.DMA] * 6
        ),
    )
    def k(table_hbm, idx_hbm, out_hbm, idx_v, *rest):
        bufs = rest[:3]
        gsems = rest[3:6]
        wsems = rest[6:9]
        sid = lax.axis_index("s")
        wid = sid * _NC + lax.axis_index("c")
        base = wid * b_per_w

        pltpu.sync_copy(idx_hbm.at[pl.ds(base, b_per_w)], idx_v)

        def start_gather(j, b):
            pltpu.async_copy(
                table_hbm.at[idx_v.at[pl.ds(j * chunk, chunk)]],
                bufs[b], gsems[b])

        def start_write(j, b):
            pltpu.async_copy(
                bufs[b], out_hbm.at[pl.ds(base + j * chunk, chunk)], wsems[b])

        def wait_gather(b):
            pltpu.make_async_copy(
                out_hbm.at[pl.ds(base, chunk)], bufs[b], gsems[b]).wait()

        def wait_write(b):
            pltpu.make_async_copy(
                bufs[b], out_hbm.at[pl.ds(base, chunk)], wsems[b]).wait()

        for b in range(3):
            start_gather(b, b)

        def body(jj, carry):
            for b in range(3):
                j = jj * 3 + b
                wait_gather(b)
                start_write(j, b)
                wait_write(b)

                @pl.when(j + 3 < nchunks)
                def _():
                    start_gather(j + 3, b)
            return carry

        lax.fori_loop(0, nchunks // 3, body, 0)
        for j in range((nchunks // 3) * 3, nchunks):
            b = j % 3
            wait_gather(b)
            start_write(j, b)
            wait_write(b)

    return k(weight, idx_flat)


def kernel(indices, weight):
    B, S = indices.shape
    V, D = weight.shape
    idx_flat = indices.reshape(-1).astype(jnp.int32)
    w_big = jnp.tile(weight, (_K, 1))
    idx_spread = idx_flat + (jnp.arange(idx_flat.shape[0], dtype=jnp.int32)
                             % _K) * V
    out = _sc_lookup(w_big, idx_spread, chunk=40)
    return out.reshape(B, S, D)

# --- scband reference (transcript-rebuilt; emitter-appended) ---
"""Pipeline reference for scband-prompt-encoder-84198538870793 (READ-ONLY COPY).

The authoritative reference and input builder live on the scoring server;
editing this copy changes nothing except your own understanding.
"""

import jax, jax.numpy as jnp
import numpy as np

LENGTH = 100
EMBED_DIM = 1024
BATCH = 1024
SEQ = 50


def setup_inputs(seed: int = 0) -> dict:
    key = jax.random.key(seed)
    k_idx, k_w = jax.random.split(key)
    indices = jax.random.randint(k_idx, (BATCH, SEQ), 0, LENGTH, dtype=jnp.int64 if jax.config.jax_enable_x64 else jnp.int32)
    weight = jax.random.normal(k_w, (LENGTH, EMBED_DIM), dtype=jnp.float32)
    return {"indices": indices, "weight": weight}


def reference(indices, weight):
    # PromptEncoder lookup: out = self.embedding(local_ids)
    # (ids are already local, i.e., offset-subtracted; plain embedding gather)
    out = jnp.take(weight, indices, axis=0)
    return out

if __name__ == "__main__":
    import jax
    _d = setup_inputs()
    print(jax.jit(kernel)(*tuple(_d.values())))

</pallas_src>

<mosaic_0001>
#map = affine_map<(d0, d1) -> (0, 0)>
#map1 = affine_map<(d0, d1) -> (0)>
module attributes {stable_mosaic.version = 14 : i64} {
  func.func @k(%arg0: i32, %arg1: i32, %arg2: memref<400x1024xf32, #tpu.memory_space<hbm>>, %arg3: memref<51200xi32, #tpu.memory_space<hbm>>, %arg4: memref<51200x1024xf32, #tpu.memory_space<hbm>>, %arg5: memref<1600xi32, #tpu.memory_space<vmem>>, %arg6: memref<40x1024xf32, #tpu.memory_space<vmem>>, %arg7: memref<40x1024xf32, #tpu.memory_space<vmem>>, %arg8: memref<40x1024xf32, #tpu.memory_space<vmem>>, %arg9: memref<!tpu.dma_semaphore, #tpu.memory_space<semaphore_mem>>, %arg10: memref<!tpu.dma_semaphore, #tpu.memory_space<semaphore_mem>>, %arg11: memref<!tpu.dma_semaphore, #tpu.memory_space<semaphore_mem>>, %arg12: memref<!tpu.dma_semaphore, #tpu.memory_space<semaphore_mem>>, %arg13: memref<!tpu.dma_semaphore, #tpu.memory_space<semaphore_mem>>, %arg14: memref<!tpu.dma_semaphore, #tpu.memory_space<semaphore_mem>>) attributes {dimension_semantics = [#tpu.dimension_semantics<core_parallel>, #tpu.dimension_semantics<subcore_parallel>], iteration_bounds = array<i64: 2, 16>, scalar_prefetch = 0 : i64, scratch_operands = 10 : i64, tpu.core_type = #tpu.core_type<sc_vector_subcore>, window_params = [{transform_indices = #map}, {transform_indices = #map1}, {transform_indices = #map}]} {
    %mul3A = arith.constant 2 : i32
    %mul3A_0 = arith.muli %arg1, %mul3A : i32
    %add3A = arith.addi %mul3A_0, %arg0 : i32
    %mul3A_1 = arith.constant 1600 : i32
    %mul3A_2 = arith.muli %add3A, %mul3A_1 : i32
    "tpu.region"() ({
      %run_scoped3A = tpu.sem_alloc : memref<!tpu.dma_semaphore, #tpu.memory_space<semaphore_mem>>
      %dma_start3A_35 = tpu.memref_slice %arg3[%mul3A_2] : memref<51200xi32, #tpu.memory_space<hbm>> -> memref<1600xi32, #tpu.memory_space<hbm>>
      %dma_start3A_36 = tpu.memref_slice %arg3[%mul3A_2] : memref<51200xi32, #tpu.memory_space<hbm>> -> memref<1600xi32, #tpu.memory_space<hbm>>
      tpu.enqueue_dma source(%dma_start3A_36 : memref<1600xi32, #tpu.memory_space<hbm>>) target(%arg5 : memref<1600xi32, #tpu.memory_space<vmem>>) target_semaphore(%run_scoped3A : memref<!tpu.dma_semaphore, #tpu.memory_space<semaphore_mem>>)
      %dma_wait3A_37 = tpu.memref_slice %arg3[%mul3A_2] : memref<51200xi32, #tpu.memory_space<hbm>> -> memref<1600xi32, #tpu.memory_space<hbm>>
      %dma_wait3A_38 = tpu.memref_slice %arg3[%mul3A_2] : memref<51200xi32, #tpu.memory_space<hbm>> -> memref<1600xi32, #tpu.memory_space<hbm>>
      tpu.wait_dma2 semaphore(%run_scoped3A : memref<!tpu.dma_semaphore, #tpu.memory_space<semaphore_mem>>) src(%dma_wait3A_38 : memref<1600xi32, #tpu.memory_space<hbm>>) dst(%arg5 : memref<1600xi32, #tpu.memory_space<vmem>>)
      tpu.yield
    }) : () -> ()
    %dma_start3A = arith.constant 0 : i32
    %dma_start3A_3 = tpu.memref_slice %arg5[%dma_start3A] : memref<1600xi32, #tpu.memory_space<vmem>> -> memref<40xi32, #tpu.memory_space<vmem>>
    %dma_start3A_4 = arith.constant 0 : i32
    %dma_start3A_5 = arith.constant 0 : i32
    %dma_start3A_6 = tpu.memref_slice %arg2[%dma_start3A_4, %dma_start3A_5] : memref<400x1024xf32, #tpu.memory_space<hbm>> -> memref<400x1024xf32, #tpu.memory_space<hbm>>
    tpu.enqueue_indirect_dma source(%dma_start3A_6 : memref<400x1024xf32, #tpu.memory_space<hbm>>) target(%arg6 : memref<40x1024xf32, #tpu.memory_space<vmem>>) offsets(%dma_start3A_3 : memref<40xi32, #tpu.memory_space<vmem>>) semaphore(%arg9 : memref<!tpu.dma_semaphore, #tpu.memory_space<semaphore_mem>>)
    %dma_start3A_7 = arith.constant 40 : i32
    %dma_start3A_8 = tpu.memref_slice %arg5[%dma_start3A_7] : memref<1600xi32, #tpu.memory_space<vmem>> -> memref<40xi32, #tpu.memory_space<vmem>>
    %dma_start3A_9 = arith.constant 0 : i32
    %dma_start3A_10 = arith.constant 0 : i32
    %dma_start3A_11 = tpu.memref_slice %arg2[%dma_start3A_9, %dma_start3A_10] : memref<400x1024xf32, #tpu.memory_space<hbm>> -> memref<400x1024xf32, #tpu.memory_space<hbm>>
    tpu.enqueue_indirect_dma source(%dma_start3A_11 : memref<400x1024xf32, #tpu.memory_space<hbm>>) target(%arg7 : memref<40x1024xf32, #tpu.memory_space<vmem>>) offsets(%dma_start3A_8 : memref<40xi32, #tpu.memory_space<vmem>>) semaphore(%arg10 : memref<!tpu.dma_semaphore, #tpu.memory_space<semaphore_mem>>)
    %dma_start3A_12 = arith.constant 80 : i32
    %dma_start3A_13 = tpu.memref_slice %arg5[%dma_start3A_12] : memref<1600xi32, #tpu.memory_space<vmem>> -> memref<40xi32, #tpu.memory_space<vmem>>
    %dma_start3A_14 = arith.constant 0 : i32
    %dma_start3A_15 = arith.constant 0 : i32
    %dma_start3A_16 = tpu.memref_slice %arg2[%dma_start3A_14, %dma_start3A_15] : memref<400x1024xf32, #tpu.memory_space<hbm>> -> memref<400x1024xf32, #tpu.memory_space<hbm>>
    tpu.enqueue_indirect_dma source(%dma_start3A_16 : memref<400x1024xf32, #tpu.memory_space<hbm>>) target(%arg8 : memref<40x1024xf32, #tpu.memory_space<vmem>>) offsets(%dma_start3A_13 : memref<40xi32, #tpu.memory_space<vmem>>) semaphore(%arg11 : memref<!tpu.dma_semaphore, #tpu.memory_space<semaphore_mem>>)
    %scan3A = arith.constant 0 : i32
    %scan3A_17 = arith.constant 0 : i32
    %scan3A_18 = arith.constant 13 : i32
    %scan3A_19 = arith.addi %scan3A_17, %scan3A_18 : i32
    %scan3A_20 = arith.constant 1 : i32
    scf.for %scan3A_35 = %scan3A_17 to %scan3A_19 step %scan3A_20  : i32 {
      %mul3A_36 = arith.constant 3 : i32
      %mul3A_37 = arith.muli %scan3A_35, %mul3A_36 : i32
      %add3A_38 = arith.constant 0 : i32
      %add3A_39 = arith.addi %mul3A_37, %add3A_38 : i32
      %dma_wait3A_40 = arith.constant 0 : i32
      %dma_wait3A_41 = tpu.memref_slice %arg4[%mul3A_2, %dma_wait3A_40] : memref<51200x1024xf32, #tpu.memory_space<hbm>> -> memref<40x1024xf32, #tpu.memory_space<hbm>>
      %dma_wait3A_42 = arith.constant 0 : i32
      %dma_wait3A_43 = tpu.memref_slice %arg4[%mul3A_2, %dma_wait3A_42] : memref<51200x1024xf32, #tpu.memory_space<hbm>> -> memref<40x1024xf32, #tpu.memory_space<hbm>>
      tpu.wait_dma2 semaphore(%arg9 : memref<!tpu.dma_semaphore, #tpu.memory_space<semaphore_mem>>) src(%dma_wait3A_43 : memref<40x1024xf32, #tpu.memory_space<hbm>>) dst(%arg6 : memref<40x1024xf32, #tpu.memory_space<vmem>>)
      %mul3A_44 = arith.constant 40 : i32
      %mul3A_45 = arith.muli %add3A_39, %mul3A_44 : i32
      %add3A_46 = arith.addi %mul3A_2, %mul3A_45 : i32
      %dma_start3A_47 = arith.constant 0 : i32
      %dma_start3A_48 = tpu.memref_slice %arg4[%add3A_46, %dma_start3A_47] : memref<51200x1024xf32, #tpu.memory_space<hbm>> -> memref<40x1024xf32, #tpu.memory_space<hbm>>
      %dma_start3A_49 = arith.constant 0 : i32
      %dma_start3A_50 = tpu.memref_slice %arg4[%add3A_46, %dma_start3A_49] : memref<51200x1024xf32, #tpu.memory_space<hbm>> -> memref<40x1024xf32, #tpu.memory_space<hbm>>
      tpu.enqueue_dma source(%arg6 : memref<40x1024xf32, #tpu.memory_space<vmem>>) target(%dma_start3A_50 : memref<40x1024xf32, #tpu.memory_space<hbm>>) target_semaphore(%arg12 : memref<!tpu.dma_semaphore, #tpu.memory_space<semaphore_mem>>)
      %dma_wait3A_51 = arith.constant 0 : i32
      %dma_wait3A_52 = tpu.memref_slice %arg4[%mul3A_2, %dma_wait3A_51] : memref<51200x1024xf32, #tpu.memory_space<hbm>> -> memref<40x1024xf32, #tpu.memory_space<hbm>>
      %dma_wait3A_53 = arith.constant 0 : i32
      %dma_wait3A_54 = tpu.memref_slice %arg4[%mul3A_2, %dma_wait3A_53] : memref<51200x1024xf32, #tpu.memory_space<hbm>> -> memref<40x1024xf32, #tpu.memory_space<hbm>>
      tpu.wait_dma2 semaphore(%arg12 : memref<!tpu.dma_semaphore, #tpu.memory_space<semaphore_mem>>) src(%arg6 : memref<40x1024xf32, #tpu.memory_space<vmem>>) dst(%dma_wait3A_54 : memref<40x1024xf32, #tpu.memory_space<hbm>>)
      %add3A_55 = arith.constant 3 : i32
      %add3A_56 = arith.addi %add3A_39, %add3A_55 : i32
      %lt3A = arith.constant 40 : i32
      %lt3A_57 = arith.cmpi slt, %add3A_56, %lt3A : i32
      %convert_element_type3A = arith.extui %lt3A_57 : i1 to i32
      %cond3A = arith.constant 0 : i32
      %cond3A_58 = arith.cmpi ne, %convert_element_type3A, %cond3A : i32
      scf.if %cond3A_58 {
        %add3A_111 = arith.constant 3 : i32
        %add3A_112 = arith.addi %add3A_39, %add3A_111 : i32
        %mul3A_113 = arith.constant 40 : i32
        %mul3A_114 = arith.muli %add3A_112, %mul3A_113 : i32
        %dma_start3A_115 = tpu.memref_slice %arg5[%mul3A_114] : memref<1600xi32, #tpu.memory_space<vmem>> -> memref<40xi32, #tpu.memory_space<vmem>>
        %dma_start3A_116 = arith.constant 0 : i32
        %dma_start3A_117 = arith.constant 0 : i32
        %dma_start3A_118 = tpu.memref_slice %arg2[%dma_start3A_116, %dma_start3A_117] : memref<400x1024xf32, #tpu.memory_space<hbm>> -> memref<400x1024xf32, #tpu.memory_space<hbm>>
        tpu.enqueue_indirect_dma source(%dma_start3A_118 : memref<400x1024xf32, #tpu.memory_space<hbm>>) target(%arg6 : memref<40x1024xf32, #tpu.memory_space<vmem>>) offsets(%dma_start3A_115 : memref<40xi32, #tpu.memory_space<vmem>>) semaphore(%arg9 : memref<!tpu.dma_semaphore, #tpu.memory_space<semaphore_mem>>)
      } else {
      }
      %mul3A_59 = arith.constant 3 : i32
      %mul3A_60 = arith.muli %scan3A_35, %mul3A_59 : i32
      %add3A_61 = arith.constant 1 : i32
      %add3A_62 = arith.addi %mul3A_60, %add3A_61 : i32
      %dma_wait3A_63 = arith.constant 0 : i32
      %dma_wait3A_64 = tpu.memref_slice %arg4[%mul3A_2, %dma_wait3A_63] : memref<51200x1024xf32, #tpu.memory_space<hbm>> -> memref<40x1024xf32, #tpu.memory_space<hbm>>
      %dma_wait3A_65 = arith.constant 0 : i32
      %dma_wait3A_66 = tpu.memref_slice %arg4[%mul3A_2, %dma_wait3A_65] : memref<51200x1024xf32, #tpu.memory_space<hbm>> -> memref<40x1024xf32, #tpu.memory_space<hbm>>
      tpu.wait_dma2 semaphore(%arg10 : memref<!tpu.dma_semaphore, #tpu.memory_space<semaphore_mem>>) src(%dma_wait3A_66 : memref<40x1024xf32, #tpu.memory_space<hbm>>) dst(%arg7 : memref<40x1024xf32, #tpu.memory_space<vmem>>)
      %mul3A_67 = arith.constant 40 : i32
      %mul3A_68 = arith.muli %add3A_62, %mul3A_67 : i32
      %add3A_69 = arith.addi %mul3A_2, %mul3A_68 : i32
      %dma_start3A_70 = arith.constant 0 : i32
      %dma_start3A_71 = tpu.memref_slice %arg4[%add3A_69, %dma_start3A_70] : memref<51200x1024xf32, #tpu.memory_space<hbm>> -> memref<40x1024xf32, #tpu.memory_space<hbm>>
      %dma_start3A_72 = arith.constant 0 : i32
      %dma_start3A_73 = tpu.memref_slice %arg4[%add3A_69, %dma_start3A_72] : memref<51200x1024xf32, #tpu.memory_space<hbm>> -> memref<40x1024xf32, #tpu.memory_space<hbm>>
      tpu.enqueue_dma source(%arg7 : memref<40x1024xf32, #tpu.memory_space<vmem>>) target(%dma_start3A_73 : memref<40x1024xf32, #tpu.memory_space<hbm>>) target_semaphore(%arg13 : memref<!tpu.dma_semaphore, #tpu.memory_space<semaphore_mem>>)
      %dma_wait3A_74 = arith.constant 0 : i32
      %dma_wait3A_75 = tpu.memref_slice %arg4[%mul3A_2, %dma_wait3A_74] : memref<51200x1024xf32, #tpu.memory_space<hbm>> -> memref<40x1024xf32, #tpu.memory_space<hbm>>
      %dma_wait3A_76 = arith.constant 0 : i32
      %dma_wait3A_77 = tpu.memref_slice %arg4[%mul3A_2, %dma_wait3A_76] : memref<51200x1024xf32, #tpu.memory_space<hbm>> -> memref<40x1024xf32, #tpu.memory_space<hbm>>
      tpu.wait_dma2 semaphore(%arg13 : memref<!tpu.dma_semaphore, #tpu.memory_space<semaphore_mem>>) src(%arg7 : memref<40x1024xf32, #tpu.memory_space<vmem>>) dst(%dma_wait3A_77 : memref<40x1024xf32, #tpu.memory_space<hbm>>)
      %add3A_78 = arith.constant 3 : i32
      %add3A_79 = arith.addi %add3A_62, %add3A_78 : i32
      %lt3A_80 = arith.constant 40 : i32
      %lt3A_81 = arith.cmpi slt, %add3A_79, %lt3A_80 : i32
      %convert_element_type3A_82 = arith.extui %lt3A_81 : i1 to i32
      %cond3A_83 = arith.constant 0 : i32
      %cond3A_84 = arith.cmpi ne, %convert_element_type3A_82, %cond3A_83 : i32
      scf.if %cond3A_84 {
        %add3A_111 = arith.constant 3 : i32
        %add3A_112 = arith.addi %add3A_62, %add3A_111 : i32
        %mul3A_113 = arith.constant 40 : i32
        %mul3A_114 = arith.muli %add3A_112, %mul3A_113 : i32
        %dma_start3A_115 = tpu.memref_slice %arg5[%mul3A_114] : memref<1600xi32, #tpu.memory_space<vmem>> -> memref<40xi32, #tpu.memory_space<vmem>>
        %dma_start3A_116 = arith.constant 0 : i32
        %dma_start3A_117 = arith.constant 0 : i32
        %dma_start3A_118 = tpu.memref_slice %arg2[%dma_start3A_116, %dma_start3A_117] : memref<400x1024xf32, #tpu.memory_space<hbm>> -> memref<400x1024xf32, #tpu.memory_space<hbm>>
        tpu.enqueue_indirect_dma source(%dma_start3A_118 : memref<400x1024xf32, #tpu.memory_space<hbm>>) target(%arg7 : memref<40x1024xf32, #tpu.memory_space<vmem>>) offsets(%dma_start3A_115 : memref<40xi32, #tpu.memory_space<vmem>>) semaphore(%arg10 : memref<!tpu.dma_semaphore, #tpu.memory_space<semaphore_mem>>)
      } else {
      }
      %mul3A_85 = arith.constant 3 : i32
      %mul3A_86 = arith.muli %scan3A_35, %mul3A_85 : i32
      %add3A_87 = arith.constant 2 : i32
      %add3A_88 = arith.addi %mul3A_86, %add3A_87 : i32
      %dma_wait3A_89 = arith.constant 0 : i32
      %dma_wait3A_90 = tpu.memref_slice %arg4[%mul3A_2, %dma_wait3A_89] : memref<51200x1024xf32, #tpu.memory_space<hbm>> -> memref<40x1024xf32, #tpu.memory_space<hbm>>
      %dma_wait3A_91 = arith.constant 0 : i32
      %dma_wait3A_92 = tpu.memref_slice %arg4[%mul3A_2, %dma_wait3A_91] : memref<51200x1024xf32, #tpu.memory_space<hbm>> -> memref<40x1024xf32, #tpu.memory_space<hbm>>
      tpu.wait_dma2 semaphore(%arg11 : memref<!tpu.dma_semaphore, #tpu.memory_space<semaphore_mem>>) src(%dma_wait3A_92 : memref<40x1024xf32, #tpu.memory_space<hbm>>) dst(%arg8 : memref<40x1024xf32, #tpu.memory_space<vmem>>)
      %mul3A_93 = arith.constant 40 : i32
      %mul3A_94 = arith.muli %add3A_88, %mul3A_93 : i32
      %add3A_95 = arith.addi %mul3A_2, %mul3A_94 : i32
      %dma_start3A_96 = arith.constant 0 : i32
      %dma_start3A_97 = tpu.memref_slice %arg4[%add3A_95, %dma_start3A_96] : memref<51200x1024xf32, #tpu.memory_space<hbm>> -> memref<40x1024xf32, #tpu.memory_space<hbm>>
      %dma_start3A_98 = arith.constant 0 : i32
      %dma_start3A_99 = tpu.memref_slice %arg4[%add3A_95, %dma_start3A_98] : memref<51200x1024xf32, #tpu.memory_space<hbm>> -> memref<40x1024xf32, #tpu.memory_space<hbm>>
      tpu.enqueue_dma source(%arg8 : memref<40x1024xf32, #tpu.memory_space<vmem>>) target(%dma_start3A_99 : memref<40x1024xf32, #tpu.memory_space<hbm>>) target_semaphore(%arg14 : memref<!tpu.dma_semaphore, #tpu.memory_space<semaphore_mem>>)
      %dma_wait3A_100 = arith.constant 0 : i32
      %dma_wait3A_101 = tpu.memref_slice %arg4[%mul3A_2, %dma_wait3A_100] : memref<51200x1024xf32, #tpu.memory_space<hbm>> -> memref<40x1024xf32, #tpu.memory_space<hbm>>
      %dma_wait3A_102 = arith.constant 0 : i32
      %dma_wait3A_103 = tpu.memref_slice %arg4[%mul3A_2, %dma_wait3A_102] : memref<51200x1024xf32, #tpu.memory_space<hbm>> -> memref<40x1024xf32, #tpu.memory_space<hbm>>
      tpu.wait_dma2 semaphore(%arg14 : memref<!tpu.dma_semaphore, #tpu.memory_space<semaphore_mem>>) src(%arg8 : memref<40x1024xf32, #tpu.memory_space<vmem>>) dst(%dma_wait3A_103 : memref<40x1024xf32, #tpu.memory_space<hbm>>)
      %add3A_104 = arith.constant 3 : i32
      %add3A_105 = arith.addi %add3A_88, %add3A_104 : i32
      %lt3A_106 = arith.constant 40 : i32
      %lt3A_107 = arith.cmpi slt, %add3A_105, %lt3A_106 : i32
      %convert_element_type3A_108 = arith.extui %lt3A_107 : i1 to i32
      %cond3A_109 = arith.constant 0 : i32
      %cond3A_110 = arith.cmpi ne, %convert_element_type3A_108, %cond3A_109 : i32
      scf.if %cond3A_110 {
        %add3A_111 = arith.constant 3 : i32
        %add3A_112 = arith.addi %add3A_88, %add3A_111 : i32
        %mul3A_113 = arith.constant 40 : i32
        %mul3A_114 = arith.muli %add3A_112, %mul3A_113 : i32
        %dma_start3A_115 = tpu.memref_slice %arg5[%mul3A_114] : memref<1600xi32, #tpu.memory_space<vmem>> -> memref<40xi32, #tpu.memory_space<vmem>>
        %dma_start3A_116 = arith.constant 0 : i32
        %dma_start3A_117 = arith.constant 0 : i32
        %dma_start3A_118 = tpu.memref_slice %arg2[%dma_start3A_116, %dma_start3A_117] : memref<400x1024xf32, #tpu.memory_space<hbm>> -> memref<400x1024xf32, #tpu.memory_space<hbm>>
        tpu.enqueue_indirect_dma source(%dma_start3A_118 : memref<400x1024xf32, #tpu.memory_space<hbm>>) target(%arg8 : memref<40x1024xf32, #tpu.memory_space<vmem>>) offsets(%dma_start3A_115 : memref<40xi32, #tpu.memory_space<vmem>>) semaphore(%arg11 : memref<!tpu.dma_semaphore, #tpu.memory_space<semaphore_mem>>)
      } else {
      }
    }
    %scan3A_21 = arith.constant 13 : i32
    %dma_wait3A = arith.constant 0 : i32
    %dma_wait3A_22 = tpu.memref_slice %arg4[%mul3A_2, %dma_wait3A] : memref<51200x1024xf32, #tpu.memory_space<hbm>> -> memref<40x1024xf32, #tpu.memory_space<hbm>>
    %dma_wait3A_23 = arith.constant 0 : i32
    %dma_wait3A_24 = tpu.memref_slice %arg4[%mul3A_2, %dma_wait3A_23] : memref<51200x1024xf32, #tpu.memory_space<hbm>> -> memref<40x1024xf32, #tpu.memory_space<hbm>>
    tpu.wait_dma2 semaphore(%arg9 : memref<!tpu.dma_semaphore, #tpu.memory_space<semaphore_mem>>) src(%dma_wait3A_24 : memref<40x1024xf32, #tpu.memory_space<hbm>>) dst(%arg6 : memref<40x1024xf32, #tpu.memory_space<vmem>>)
    %add3A_25 = arith.constant 1560 : i32
    %add3A_26 = arith.addi %mul3A_2, %add3A_25 : i32
    %dma_start3A_27 = arith.constant 0 : i32
    %dma_start3A_28 = tpu.memref_slice %arg4[%add3A_26, %dma_start3A_27] : memref<51200x1024xf32, #tpu.memory_space<hbm>> -> memref<40x1024xf32, #tpu.memory_space<hbm>>
    %dma_start3A_29 = arith.constant 0 : i32
    %dma_start3A_30 = tpu.memref_slice %arg4[%add3A_26, %dma_start3A_29] : memref<51200x1024xf32, #tpu.memory_space<hbm>> -> memref<40x1024xf32, #tpu.memory_space<hbm>>
    tpu.enqueue_dma source(%arg6 : memref<40x1024xf32, #tpu.memory_space<vmem>>) target(%dma_start3A_30 : memref<40x1024xf32, #tpu.memory_space<hbm>>) target_semaphore(%arg12 : memref<!tpu.dma_semaphore, #tpu.memory_space<semaphore_mem>>)
    %dma_wait3A_31 = arith.constant 0 : i32
    %dma_wait3A_32 = tpu.memref_slice %arg4[%mul3A_2, %dma_wait3A_31] : memref<51200x1024xf32, #tpu.memory_space<hbm>> -> memref<40x1024xf32, #tpu.memory_space<hbm>>
    %dma_wait3A_33 = arith.constant 0 : i32
    %dma_wait3A_34 = tpu.memref_slice %arg4[%mul3A_2, %dma_wait3A_33] : memref<51200x1024xf32, #tpu.memory_space<hbm>> -> memref<40x1024xf32, #tpu.memory_space<hbm>>
    tpu.wait_dma2 semaphore(%arg12 : memref<!tpu.dma_semaphore, #tpu.memory_space<semaphore_mem>>) src(%arg6 : memref<40x1024xf32, #tpu.memory_space<vmem>>) dst(%dma_wait3A_34 : memref<40x1024xf32, #tpu.memory_space<hbm>>)
    return
  }
}

</mosaic_0001>

<sc_bundles>
// kernel: _sc_lookup.3.cloned.1.call-start
scs
__scs_entry_jumppad:
0x0: {  	(pc) =	sbr.rel $0x88, $3  }
0x1: {  	(tag) =	ssettag $0x0;
	lr =	simm.s32 $0x1  }
0x2: {  	[smem:$0x3F9F] =	sst lr;
	_ =	strace $0xD0000000  }
0x3: {  	_ = 	snop  }
0x4: {  	_ = 	snop  }
0x5: {  	_ = 	snop  }
0x6: {  	_ = 	snop  }
0x7: {  	_ = 	snop  }
__scs_overlays_trampoline_lowered:
0x8: {  	[smem:$0x3FAE] =	sst s0  }
0x9: {  	[smem:$0x3FAF] =	sst s1  }
0xa: {  	[smem:$0x3FB0] =	sst s2  }
0xb: {  	[smem:$0x3FB1] =	sst s3  }
0xc: {  	[smem:$0x3FB2] =	sst s4  }
0xd: {  	[smem:$0x3FB3] =	sst s5  }
0xe: {  	[smem:$0x3FB4] =	sst s6  }
0xf: {  	[smem:$0x3FB5] =	sst s7  }
0x10: {  	[smem:$0x3FB6] =	sst s8  }
0x11: {  	[smem:$0x3FB7] =	sst s9;
	s0 =	simm.s32 @!p0 $0x0  }
0x12: {  	s1 =	sld [smem:$0x3F9D];
	s0 =	simm.s32 @p0 $0x1  }
0x13: {  	[smem:$0x3FB8] =	sst s0;
	s0 =	simm.s32 @!p1 $0x0  }
0x14: {  	s2 =	sld [smem:$0x3F9C];
	s0 =	simm.s32 @p1 $0x1  }
0x15: {  	[smem:$0x3FB9] =	sst s0;
	s0 =	simm.s32 @!p2 $0x0  }
0x16: {  	s3 =	sld [smem:$0x3FDB];
	s0 =	simm.s32 @p2 $0x1  }
0x17: {  	s4 =	simm.s32 $0x1BF5;
	[smem:$0x3FBB] =	sst s0  }
0x18: {  	s0 =	sld [smem:$0x3F9E];
	_ =	swait.ge [sflag:s4], $0x0  }
0x19: {  	s7 =	sld [smem:$0x3F9F]  }
0x1a: {  	s8 =	sadd.s32 $0xFFFFE003, lr  }
0x1b: {  	s9 =	sadd.s32 $0xFFFFFEF7, lr;
	s5 =	simm.s32 $0xFFFFFFFF;
	p2 =	slt.u32 s8, $0xFFFFF086  }
0x1c: {  	p1 =	slt.u32 s9, $0xF7A;
	s5 =	simm.s32 @!p2 $0x0  }
0x1d: {  	s5 =	simm.s32 @p1 $0x1;
	p0 =	seq.s32 s7, s2  }
0x1e: {  	s7 =	smul.u32 @!p0 $0xF7A, s2;
	p2 =	seq.s32 @!p0 s5, $0x0  }
0x1f: {  	s9 =	smul.u32 $0xF7A, s1;
	s8 =	simm.s32 @!p0 $0x1BF5;
	p2 =	por !p2, p0  }
0x20: {  	[sflag:s8] =	ssyncset.s32 @!p0 $0xFFFFF086;
	s6 =	sadd.s32 @!p0 s3, s7;
	s7 =	simm.s32 @!p0 $0x108  }
0x21: {  	s3 =	sadd.s32 s3, s9;
	s6 =	sadd.s32 @!p0 $0x88, s6;
	s7 =	simm.s32 @p2 $0x1082  }
0x22: {  	[simem:s7], [sflag:s8] =	dma.local @!p0 [hbm:s6], $0xF7A  }
0x23: {  	s9 =	sor.u32 $0xD0000000, s2;
	s6 =	simm.s32 $0x108;
	_ =	swait.ge @!p0 [sflag:s8], $0x0  }
0x24: {  	s3 =	sadd.s32 $0x88, s3;
	s6 =	simm.s32 @!p1 $0x1082;
	[sflag:s4] =	ssyncset.s32 $0xFFFFF086  }
0x25: {  	[simem:s6], [sflag:s4] =	dma.local [hbm:s3], $0xF7A  }
0x26: {  	[smem:$0x3F9F] =	sst s1;
	(tag) =	ssettag s2;
	_ =	strace s9  }
0x27: {  	s1 =	sld [smem:$0x3FAF]  }
0x28: {  	s2 =	sld [smem:$0x3FB0]  }
0x29: {  	s4 =	sld [smem:$0x3FB2]  }
0x2a: {  	p0 =	seq.s32 s5, $0x0;
	s5 =	sld [smem:$0x3FB3]  }
0x2b: {  	s6 =	sld [smem:$0x3FB4]  }
0x2c: {  	s7 =	sld [smem:$0x3FB5]  }
0x2d: {  	s3 =	simm.s32 $0x108;
	s8 =	sld [smem:$0x3FB6]  }
0x2e: {  	s3 =	simm.s32 @!p0 $0x1082;
	s9 =	sld [smem:$0x3FB7]  }
0x2f: {  	lr =	sadd.s32 s0, s3;
	s0 =	sld [smem:$0x3FAE]  }
0x30: {  	s3 =	sld [smem:$0x3FB1]  }
0x31: {  	[smem:$0x3FBA] =	sst s10  }
0x32: {  	s10 =	sld [smem:$0x3FB8];
	_ =	sdelay $0x3  }
0x33: {  	p0 =	seq.s32 s10, $0x1;
	s10 =	sld [smem:$0x3FBA];
	_ =	sdelay $0x3  }
0x34: {  	[smem:$0x3FBA] =	sst s10  }
0x35: {  	s10 =	sld [smem:$0x3FB9];
	_ =	sdelay $0x3  }
0x36: {  	p1 =	seq.s32 s10, $0x1;
	s10 =	sld [smem:$0x3FBA];
	_ =	sdelay $0x3  }
0x37: {  	[smem:$0x3FBA] =	sst s10  }
0x38: {  	s10 =	sld [smem:$0x3FBB]  }
0x39: {  	_ = 	snop;
	(pc) =	sbr.ind lr, $3  }
0x3a: {  	_ = 	snop  }
0x3b: {  	_ = 	snop  }
0x3c: {  	p2 =	seq.s32 s10, $0x1;
	s10 =	sld [smem:$0x3FBA]  }
0x3d: {  	_ =	shalt  }
0x3e: {  	_ =	shalt  }
0x3f: {  	_ =	shalt  }
0x40: {  	_ =	shalt  }
0x41: {  	_ =	shalt  }
0x42: {  	_ =	shalt  }
0x43: {  	_ =	shalt  }
0x44: {  	_ =	shalt  }
0x45: {  	_ =	shalt  }
0x46: {  	_ =	shalt  }
0x47: {  	_ =	shalt  }
0x48: {  	_ =	shalt  }
0x49: {  	_ =	shalt  }
0x4a: {  	_ =	shalt  }
0x4b: {  	_ =	shalt  }
0x4c: {  	_ =	shalt  }
0x4d: {  	_ =	shalt  }
0x4e: {  	_ =	shalt  }
0x4f: {  	_ =	shalt  }
0x50: {  	_ =	shalt  }
0x51: {  	_ =	shalt  }
0x52: {  	_ =	shalt  }
0x53: {  	_ =	shalt  }
0x54: {  	_ =	shalt  }
0x55: {  	_ =	shalt  }
0x56: {  	_ =	shalt  }
0x57: {  	_ =	shalt  }
0x58: {  	_ =	shalt  }
0x59: {  	_ =	shalt  }
0x5a: {  	_ =	shalt  }
0x5b: {  	_ =	shalt  }
0x5c: {  	_ =	shalt  }
0x5d: {  	_ =	shalt  }
0x5e: {  	_ =	shalt  }
0x5f: {  	_ =	shalt  }
0x60: {  	_ =	shalt  }
0x61: {  	_ =	shalt  }
0x62: {  	_ =	shalt  }
0x63: {  	_ =	shalt  }
0x64: {  	_ =	shalt  }
0x65: {  	_ =	shalt  }
0x66: {  	_ =	shalt  }
0x67: {  	_ =	shalt  }
0x68: {  	_ =	shalt  }
0x69: {  	_ =	shalt  }
0x6a: {  	_ =	shalt  }
0x6b: {  	_ =	shalt  }
0x6c: {  	_ =	shalt  }
0x6d: {  	_ =	shalt  }
0x6e: {  	_ =	shalt  }
0x6f: {  	_ =	shalt  }
0x70: {  	_ =	shalt  }
0x71: {  	_ =	shalt  }
0x72: {  	_ =	shalt  }
0x73: {  	_ =	shalt  }
0x74: {  	_ =	shalt  }
0x75: {  	_ =	shalt  }
0x76: {  	_ =	shalt  }
0x77: {  	_ =	shalt  }
0x78: {  	_ =	shalt  }
0x79: {  	_ =	shalt  }
0x7a: {  	_ =	shalt  }
0x7b: {  	_ =	shalt  }
0x7c: {  	_ =	shalt  }
0x7d: {  	_ =	shalt  }
0x7e: {  	_ =	shalt  }
0x7f: {  	_ =	shalt  }
0x80: {  	_ =	shalt  }
0x81: {  	_ =	shalt  }
0x82: {  	_ =	shalt  }
0x83: {  	_ =	shalt  }
0x84: {  	_ =	shalt  }
0x85: {  	_ =	shalt  }
0x86: {  	_ =	shalt  }
0x87: {  	_ =	shalt  }
.Lfunc_end0:
.L_simem_size_0:
called_computation_lowered:
.L_overlay_start_0:
0x88: {  	s2 =	sld [smem:$0x3FD9]  }
0x89: {  	s3 =	sld [smem:$0x3FFE];
	_ =	sdelay $0x1  }
0x8a: {  	s1 =	srdreg.scid  }
0x8b: {  	s0 =	sand.u32 $0x1, s1  }
0x8c: {  	s18 =	sshll.u32 s0, $0xA;
	s2 =	sadd.s32 s3, s2  }
0x8d: {  	s2 =	sadd.s32 s2, s18  }
0x8e: {  	[smem:$0x3FC6] =	sst s2  }
0x8f: {  	_ = 	snop  }
0x90: {  	s2 =	sld [smem:$0x3FC9]  }
0x91: {  	s19 =	sld [smem:$0x3FC8]  }
0x92: {  	s4 =	sld [smem:$0x3FD0];
	(tm) =	ssettm $0x1  }
0x93: {  	s5 =	sld [smem:$0x3FFB];
	_ =	sdelay $0x3  }
0x94: {  	_ =	strace s5  }
0x95: {  	s5 =	sld [smem:$0x3FFC];
	_ =	sdelay $0x3  }
0x96: {  	_ =	strace s5  }
0x97: {  	s5 =	sld [smem:$0x3FFD];
	_ =	sdelay $0x3  }
0x98: {  	_ =	strace s5  }
0x99: {  	_ =	strace $0x8FFFFFFF  }
0x9a: {  	s20 =	sld [smem:$0x3FDB];
	_ =	sdelay $0x1  }
0x9b: {  	s6 =	simm.s32 $_scs_section_size  }
0x9c: {  	s7 =	simm.s32 $_size__tile_overlayer_lowered;
	s8 =	simm.s32 $_tile_overlayer_lowered  }
0x9d: {  	s23 =	simm.s32 $0x1BFF;
	s22 =	sshll.u32 s8, $0x1;
	s5 =	sadd.s32 s6, s20  }
0x9e: {  	s9 =	simm.s32 $0x0;
	s21 =	sshll.u32 s7, $0x1;
	s7 =	sadd.s32 s22, s5  }
0x9f: {  	[timem:s9], [sflag:s23] =	dma.local [hbm:s7], s21  }
0xa0: {  	_ =	swait.ge [sflag:s23], s21  }
0xa1: {  	s6 =	ssub.s32 $0x0, s21;
	[sflag:s23] =	ssyncset.done $0x0  }
0xa2: {  	[sflag:s23] =	ssyncadd.s32 s6;
	_ =	sdelay $0x1  }
0xa3: {  	s24 =	simm.s32 $0x1B8B  }
0xa4: {  	_ =	swait.ge [sflag:s24], $0x1  }
0xa5: {  	[sflag:s24] =	ssyncset.done $0x0  }
0xa6: {  	s25 =	simm.s32 $0x1B8E;
	[sflag:s24] =	ssyncadd.s32 $0xFFFFFFFF  }
0xa7: {  	s26 =	simm.s32 $execute0_lowered;
	[smem:$0x3FD2] =	sst s25  }
0xa8: {  	s6 =	sshll.u32 s26, $0x1;
	_ =	strace $0x80000046;
	[dreg:$0x1] =	wrdreg $0xFFFFFFFF  }
0xa9: {  	s28 =	simm.s32 $_size_execute0_lowered;
	s5 =	sadd.s32 s5, s6;
	[dreg:$0x0] =	wrdreg $0x0  }
0xaa: {  	s6 =	sshll.u32 s28, $0x1;
	[dreg:$0x2] =	wrdreg s5  }
0xab: {  	[dreg:$0x3] =	wrdreg s6  }
0xac: {  	[dreg:$0x4] =	wrdreg $0xC0  }
0xad: {  	_ =	task [dreg:s9], $0x5FFFF  }
0xae: {  	[dreg:$0x1] =	wrdreg $0xFFFFFFFF  }
0xaf: {  	[dreg:$0x0] =	wrdreg $0x60  }
0xb0: {  	[dreg:$0x2] =	wrdreg s2  }
0xb1: {  	[dreg:$0x3] =	wrdreg s19  }
0xb2: {  	[dreg:$0x4] =	wrdreg s4  }
0xb3: {  	[dreg:$0x5] =	wrdreg $0x9  }
0xb4: {  	_ =	task.clear_ibuf [dreg:s9], $0x6FFFF;
	_ =	strace $0x90000046  }
0xb5: {  	s29 =	simm.s32 $0x9;
	_ =	strace $0x80000048  }
0xb6: {  	_ =	swait.ge [sflag:s29], $0x1  }
0xb7: {  	[sflag:s29] =	ssyncadd.s32 $0xFFFFFFFF  }
0xb8: {  	_ =	strace $0x90000048  }
0xb9: {  	_ =	sfence  }
0xba: {  	s30 =	sld [smem:$0x0];
	_ =	sdelay $0x2  }
0xbb: {  	s31 =	sshll.u32 s1, $0xD;
	s1 =	sshrl.u32 s1, $0x2  }
0xbc: {  	s3 =	sand.u32 $0x4000, s31;
	s1 =	sadd.s32 s1, s30  }
0xbd: {  	s0 =	sor.u32 s3, s0;
	s1 =	sshll.u32 s1, $0x11  }
0xbe: {  	s0 =	sor.u32 s1, s0  }
0xbf: {  	s0 =	sadd.s32 $0x8F2B, s0  }
0xc0: {  	[sflag:s0] =	ssyncadd.remote.s32 $0x1  }
0xc1: {  	_ =	sfence.sel $0xFFFF  }
0xc2: {  	[dreg:$0x0] =	wrdreg $0xFFFFFFFF;
	(pc) =	sbr.abs _section_cstart, $3  }
0xc3: {  	[dreg:$0x1] =	wrdreg $0xFFFFFFFF  }
0xc4: {  	_ =	task.clear_ibuf [dreg:s9], $0x2FFFF;
	_ =	strace $0x9FFFFFFF  }
0xc5: {  	(tm) =	ssettm $0x7FFFFFFF  }
tec
execute0_lowered:
.L_overlay_start_1:
0x0: {  	(tag) =	ssettag $0x1  }
0x1: {  	s1 =	rddreg [dreg:$0x0]  }
0x2: {  	s0 =	rddreg [dreg:$0x1]  }
0x3: {  	s2 =	srdreg.scid;
	s10 =	stileid.u32  }
0x4: {  	s4 =	rddreg [dreg:$0x2];
	s3 =	simm.s32 $0x0;
	s12 =	simm.s32 $0x680  }
0x5: {  	s11 =	simm.s32 $0x14680;
	s17 =	simm.s32 $0x18680;
	s18 =	simm.s32 $0x18E80  }
0x6: {  	s19 =	simm.s32 $0x19680;
	s20 =	simm.s32 $0x19E80;
	s21 =	simm.s32 $0x1A680  }
0x7: {  	s22 =	simm.s32 $0x1AE80;
	s28 =	simm.s32 $0x1D680;
	s29 =	simm.s32 $0x1DE80  }
0x8: {  	s30 =	simm.s32 $0x1;
	s31 =	simm.s32 $0x4;
	s2 =	sand.u32 $0x1, s2  }
0x9: {  	s5 =	sshll.u32 s10, $0x1;
	[smem:$0x7FF] =	sst s3;
	s24 =	smul.u32 $0x64000, s10  }
0xa: {  	s5 =	sor.u32 s2, s5;
	s7 =	ssub.s32 $0x2, s2;
	s2 =	smul.u32 $0x32000, s2  }
0xb: {  	s14 =	simm.s32 $0x0;
	_ =	strace $0x80000047;
	s6 =	smul.u32 $0x640, s5  }
0xc: {  	s8 =	sshrl.u32 s7, $0x1;
	s9 =	smul.u32 $0x190000, s5;
	s5 =	sadd.s32 $0x100, s1  }
0xd: {  	s26 =	sadd.s32 s24, s4;
	s24 =	simm.s32 $0x1BE80;
	s8 =	ssub.s32 s7, s8  }
0xe: {  	s7 =	sadd.s32 $0x300, s1;
	s10 =	sadd.s32 s2, s26;
	s26 =	simm.s32 $0x1CE80  }
0xf: {  	s2 =	simm.s32 $0x2;
	s6 =	sshrl.u32 s6, $0x3;
	s23 =	sshrl.u32 s9, $0x3  }
.Ltmp0:
0x10: {  	s25 =	smax.u32 s8, $0x1;
	s8 =	simm.s32 $0x3;
	(pc) =	sbr.rel .LBB2_1-.Ltmp0, $4  }
0x11: {  	s9 =	simm.s32 $0x6;
	s0 =	sadd.s32 s0, s6;
	[dreg:$0x6] =	wrdreg s25  }
0x12: {  	v2 =	vlaneseq.u32;
	s6 =	sadd.s32 $0x200, s1;
	[dreg:$0x4] =	wrdreg s0;
	s0 =	sadd.s32 s4, s23  }
0x13: {  	vm0 =	vmmov $0xffff;
	v1 =	vshrl.u32 v2, $0x3;
	s25 =	simm.s32 $0x1C680;
	s23 =	simm.s32 $0x1B680;
	s0 =	sadd.s32 $0x30C00, s0  }
0x14: {  	v0 =	vand.u32 $0x7, v2;
	v2 =	vor.u32 $0x8, v2;
	v1 =	vmul.u32 $0x8, v1;
	s4 =	simm.s32 $0x5;
	[dreg:$0x5] =	wrdreg s0;
	s0 =	simm.s32 $0xA680  }
.LBB2_6:
0x15: {  	_ =	swait.ge [sflag:s30], $0xA000  }
0x16: {  	[sflag:s30] =	ssyncset.done $0x0  }
0x17: {  	s13 =	rddreg [dreg:$0x5];
	[sflag:s30] =	ssyncadd.s32 $0xFFFF6000  }
0x18: {  	[hbm4b:s13+s3] =	stream.linear.scatter [tilespmem:s12], [sflag:$0x4], $0xA000, $0x38;
	[tilespmem:$0x1E680] =	vst v63  }
0x19: {  	_ =	swait.ge [sflag:s31], $0xA000  }
0x1a: {  	s14 =	rddreg [dreg:$0x7]  }
0x1b: {  	s16 =	rddreg [dreg:$0x6];
	s14 =	sadd.s32 $0x1, s14  }
0x1c: {  	p0 =	sne.s32 s14, s16  }
.Ltmp1:
0x1d: {  	_ = 	snop;
	(pc) =	sbr.rel @!p0 .LBB2_7-.Ltmp1, $3  }
0x1e: {  	_ =	sdelay $0x1  }
0x1f: {  	[sflag:s31] =	ssyncset.done $0x0  }
0x20: {  	[sflag:s31] =	ssyncadd.s32 $0xFFFF6000  }
.LBB2_1:
0x21: {  	[dreg:$0x7] =	wrdreg s14  }
0x22: {  	s13 =	rddreg [dreg:$0x4];
	s16 =	simm.s32 $0x7  }
0x23: {  	[tilespmem:s3], [sflag:$0x7] =	stream.linear.gather [hbm4b:s13+s3], $0x640, $0x38;
	[tilespmem:$0x1E680] =	vst v63  }
0x24: {  	_ =	swait.ge [sflag:s16], $0x640  }
0x25: {  	[sflag:s16] =	ssyncset.done $0x0  }
0x26: {  	[sflag:s16] =	ssyncadd.s32 $0xFFFFF9C0  }
0x27: {  	v3 =	vld [tilespmem:$0x0];
	_ =	sdelay $0x4  }
0x28: {  	v4 =	vshll.u32 v3, $0x3  }
0x29: {  	v3 =	vand.u32 $0x7, v3;
	v4 =	vand.u32 $0xFFFFFFC0, v4  }
0x2a: {  	v3 =	vor.u32 v3, v4  }
0x2b: {  	v4 =	vperm.xlane v3, v0;
	_ =	sdelay $0x1  }
0x2c: {  	v4 =	vadd.s32 v1, v4;
	_ =	sdelay $0x4  }
0x2d: {  	[tilespmem:s12], [sflag:$0x1] =	stream.indirect_vreg.gather [hbm4b:s1+s3], $0x80, v4, vm0, $0xb8;
	[tilespmem:$0x1E680] =	vst v63  }
0x2e: {  	s14 =	simm.s32 $0xE80;
	v3 =	vperm.xlane v3, v2  }
0x2f: {  	[tilespmem:s14], [sflag:$0x1] =	stream.indirect_vreg.gather [hbm4b:s5+s3], $0x80, v4, vm0, $0xb8;
	[tilespmem:$0x1E680] =	vst v63  }
0x30: {  	s15 =	simm.s32 $0x1680;
	v3 =	vadd.s32 v1, v3  }
0x31: {  	[tilespmem:s15], [sflag:$0x1] =	stream.indirect_vreg.gather [hbm4b:s6+s3], $0x80, v4, vm0, $0xb8;
	[tilespmem:$0x1E680] =	vst v63  }
0x32: {  	s16 =	simm.s32 $0x1E80  }
0x33: {  	[tilespmem:s16], [sflag:$0x1] =	stream.indirect_vreg.gather [hbm4b:s7+s3], $0x80, v4, vm0, $0xb8;
	[tilespmem:$0x1E680] =	vst v63  }
0x34: {  	s14 =	simm.s32 $0x2680  }
0x35: {  	[tilespmem:s14], [sflag:$0x1] =	stream.indirect_vreg.gather [hbm4b:s1+s3], $0x80, v3, vm0, $0xb8;
	[tilespmem:$0x1E680] =	vst v63  }
0x36: {  	s15 =	simm.s32 $0x2E80  }
0x37: {  	[tilespmem:s15], [sflag:$0x1] =	stream.indirect_vreg.gather [hbm4b:s5+s3], $0x80, v3, vm0, $0xb8;
	[tilespmem:$0x1E680] =	vst v63  }
0x38: {  	s16 =	simm.s32 $0x3680  }
0x39: {  	[tilespmem:s16], [sflag:$0x1] =	stream.indirect_vreg.gather [hbm4b:s6+s3], $0x80, v3, vm0, $0xb8;
	[tilespmem:$0x1E680] =	vst v63  }
0x3a: {  	s14 =	simm.s32 $0x3E80  }
0x3b: {  	[tilespmem:s14], [sflag:$0x1] =	stream.indirect_vreg.gather [hbm4b:s7+s3], $0x80, v3, vm0, $0xb8;
	[tilespmem:$0x1E680] =	vst v63  }
0x3c: {  	v3 =	vld [tilespmem:$0x10];
	_ =	sdelay $0x4  }
0x3d: {  	v56 =	vshll.u32 v3, $0x3  }
0x3e: {  	v3 =	vand.u32 $0x7, v3;
	v4 =	vand.u32 $0xFFFFFFC0, v56  }
0x3f: {  	v3 =	vor.u32 v3, v4  }
0x40: {  	v4 =	vperm.xlane v3, v0;
	_ =	sdelay $0x1  }
0x41: {  	v4 =	vadd.s32 v1, v4;
	_ =	sdelay $0x3  }
0x42: {  	s15 =	simm.s32 $0x4680  }
0x43: {  	[tilespmem:s15], [sflag:$0x1] =	stream.indirect_vreg.gather [hbm4b:s1+s3], $0x80, v4, vm0, $0xb8;
	[tilespmem:$0x1E680] =	vst v63  }
0x44: {  	s16 =	simm.s32 $0x4E80;
	v3 =	vperm.xlane v3, v2  }
0x45: {  	[tilespmem:s16], [sflag:$0x1] =	stream.indirect_vreg.gather [hbm4b:s5+s3], $0x80, v4, vm0, $0xb8;
	[tilespmem:$0x1E680] =	vst v63  }
0x46: {  	s14 =	simm.s32 $0x5680;
	v3 =	vadd.s32 v1, v3  }
0x47: {  	[tilespmem:s14], [sflag:$0x1] =	stream.indirect_vreg.gather [hbm4b:s6+s3], $0x80, v4, vm0, $0xb8;
	[tilespmem:$0x1E680] =	vst v63  }
0x48: {  	s15 =	simm.s32 $0x5E80  }
0x49: {  	[tilespmem:s15], [sflag:$0x1] =	stream.indirect_vreg.gather [hbm4b:s7+s3], $0x80, v4, vm0, $0xb8;
	[tilespmem:$0x1E680] =	vst v63  }
0x4a: {  	s16 =	simm.s32 $0x6680  }
0x4b: {  	[tilespmem:s16], [sflag:$0x1] =	stream.indirect_vreg.gather [hbm4b:s1+s3], $0x80, v3, vm0, $0xb8;
	[tilespmem:$0x1E680] =	vst v63  }
0x4c: {  	s14 =	simm.s32 $0x6E80  }
0x4d: {  	[tilespmem:s14], [sflag:$0x1] =	stream.indirect_vreg.gather [hbm4b:s5+s3], $0x80, v3, vm0, $0xb8;
	[tilespmem:$0x1E680] =	vst v63  }
0x4e: {  	s15 =	simm.s32 $0x7680  }
0x4f: {  	[tilespmem:s15], [sflag:$0x1] =	stream.indirect_vreg.gather [hbm4b:s6+s3], $0x80, v3, vm0, $0xb8;
	[tilespmem:$0x1E680] =	vst v63  }
0x50: {  	s16 =	simm.s32 $0x7E80  }
0x51: {  	[tilespmem:s16], [sflag:$0x1] =	stream.indirect_vreg.gather [hbm4b:s7+s3], $0x80, v3, vm0, $0xb8;
	[tilespmem:$0x1E680] =	vst v63  }
0x52: {  	v3 =	vld.msk [tilespmem:$0x20], $0xff;
	_ =	sdelay $0x4  }
0x53: {  	v57 =	vshll.u32 v3, $0x3  }
0x54: {  	v3 =	vand.u32 $0x7, v3;
	v4 =	vand.u32 $0xFFFFFFC0, v57  }
0x55: {  	v3 =	vor.u32 v3, v4  }
0x56: {  	v3 =	vperm.xlane v3, v0;
	_ =	sdelay $0x1  }
0x57: {  	v3 =	vadd.s32 v1, v3;
	_ =	sdelay $0x3  }
0x58: {  	s14 =	simm.s32 $0x8680  }
0x59: {  	[tilespmem:s14], [sflag:$0x1] =	stream.indirect_vreg.gather [hbm4b:s1+s3], $0x80, v3, vm0, $0xb8;
	[tilespmem:$0x1E680] =	vst v63  }
0x5a: {  	s15 =	simm.s32 $0x8E80  }
0x5b: {  	[tilespmem:s15], [sflag:$0x1] =	stream.indirect_vreg.gather [hbm4b:s5+s3], $0x80, v3, vm0, $0xb8;
	[tilespmem:$0x1E680] =	vst v63  }
0x5c: {  	s16 =	simm.s32 $0x9680  }
0x5d: {  	[tilespmem:s16], [sflag:$0x1] =	stream.indirect_vreg.gather [hbm4b:s6+s3], $0x80, v3, vm0, $0xb8;
	[tilespmem:$0x1E680] =	vst v63  }
0x5e: {  	s14 =	simm.s32 $0x9E80  }
0x5f: {  	[tilespmem:s14], [sflag:$0x1] =	stream.indirect_vreg.gather [hbm4b:s7+s3], $0x80, v3, vm0, $0xb8;
	[tilespmem:$0x1E680] =	vst v63  }
0x60: {  	v3 =	vld [tilespmem:$0x28];
	_ =	sdelay $0x4  }
0x61: {  	v58 =	vshll.u32 v3, $0x3  }
0x62: {  	v3 =	vand.u32 $0x7, v3;
	v4 =	vand.u32 $0xFFFFFFC0, v58  }
0x63: {  	v3 =	vor.u32 v3, v4  }
0x64: {  	v4 =	vperm.xlane v3, v0;
	_ =	sdelay $0x1  }
0x65: {  	v4 =	vadd.s32 v1, v4;
	_ =	sdelay $0x4  }
0x66: {  	[tilespmem:s0], [sflag:$0x2] =	stream.indirect_vreg.gather [hbm4b:s1+s3], $0x80, v4, vm0, $0xb8;
	[tilespmem:$0x1E680] =	vst v63  }
0x67: {  	s15 =	simm.s32 $0xAE80;
	v3 =	vperm.xlane v3, v2  }
0x68: {  	[tilespmem:s15], [sflag:$0x2] =	stream.indirect_vreg.gather [hbm4b:s5+s3], $0x80, v4, vm0, $0xb8;
	[tilespmem:$0x1E680] =	vst v63  }
0x69: {  	s16 =	simm.s32 $0xB680;
	v3 =	vadd.s32 v1, v3  }
0x6a: {  	[tilespmem:s16], [sflag:$0x2] =	stream.indirect_vreg.gather [hbm4b:s6+s3], $0x80, v4, vm0, $0xb8;
	[tilespmem:$0x1E680] =	vst v63  }
0x6b: {  	s14 =	simm.s32 $0xBE80  }
0x6c: {  	[tilespmem:s14], [sflag:$0x2] =	stream.indirect_vreg.gather [hbm4b:s7+s3], $0x80, v4, vm0, $0xb8;
	[tilespmem:$0x1E680] =	vst v63  }
0x6d: {  	s15 =	simm.s32 $0xC680  }
0x6e: {  	[tilespmem:s15], [sflag:$0x2] =	stream.indirect_vreg.gather [hbm4b:s1+s3], $0x80, v3, vm0, $0xb8;
	[tilespmem:$0x1E680] =	vst v63  }
0x6f: {  	s16 =	simm.s32 $0xCE80  }
0x70: {  	[tilespmem:s16], [sflag:$0x2] =	stream.indirect_vreg.gather [hbm4b:s5+s3], $0x80, v3, vm0, $0xb8;
	[tilespmem:$0x1E680] =	vst v63  }
0x71: {  	s14 =	simm.s32 $0xD680  }
0x72: {  	[tilespmem:s14], [sflag:$0x2] =	stream.indirect_vreg.gather [hbm4b:s6+s3], $0x80, v3, vm0, $0xb8;
	[tilespmem:$0x1E680] =	vst v63  }
0x73: {  	s15 =	simm.s32 $0xDE80  }
0x74: {  	[tilespmem:s15], [sflag:$0x2] =	stream.indirect_vreg.gather [hbm4b:s7+s3], $0x80, v3, vm0, $0xb8;
	[tilespmem:$0x1E680] =	vst v63  }
0x75: {  	v3 =	vld [tilespmem:$0x38];
	_ =	sdelay $0x4  }
0x76: {  	v59 =	vshll.u32 v3, $0x3  }
0x77: {  	v3 =	vand.u32 $0x7, v3;
	v4 =	vand.u32 $0xFFFFFFC0, v59  }
0x78: {  	v3 =	vor.u32 v3, v4  }
0x79: {  	v4 =	vperm.xlane v3, v0;
	_ =	sdelay $0x1  }
0x7a: {  	v4 =	vadd.s32 v1, v4;
	_ =	sdelay $0x3  }
0x7b: {  	s16 =	simm.s32 $0xE680  }
0x7c: {  	[tilespmem:s16], [sflag:$0x2] =	stream.indirect_vreg.gather [hbm4b:s1+s3], $0x80, v4, vm0, $0xb8;
	[tilespmem:$0x1E680] =	vst v63  }
0x7d: {  	s14 =	simm.s32 $0xEE80;
	v3 =	vperm.xlane v3, v2  }
0x7e: {  	[tilespmem:s14], [sflag:$0x2] =	stream.indirect_vreg.gather [hbm4b:s5+s3], $0x80, v4, vm0, $0xb8;
	[tilespmem:$0x1E680] =	vst v63  }
0x7f: {  	s15 =	simm.s32 $0xF680;
	v3 =	vadd.s32 v1, v3  }
0x80: {  	[tilespmem:s15], [sflag:$0x2] =	stream.indirect_vreg.gather [hbm4b:s6+s3], $0x80, v4, vm0, $0xb8;
	[tilespmem:$0x1E680] =	vst v63  }
0x81: {  	s16 =	simm.s32 $0xFE80  }
0x82: {  	[tilespmem:s16], [sflag:$0x2] =	stream.indirect_vreg.gather [hbm4b:s7+s3], $0x80, v4, vm0, $0xb8;
	[tilespmem:$0x1E680] =	vst v63  }
0x83: {  	s14 =	simm.s32 $0x10680  }
0x84: {  	[tilespmem:s14], [sflag:$0x2] =	stream.indirect_vreg.gather [hbm4b:s1+s3], $0x80, v3, vm0, $0xb8;
	[tilespmem:$0x1E680] =	vst v63  }
0x85: {  	s15 =	simm.s32 $0x10E80  }
0x86: {  	[tilespmem:s15], [sflag:$0x2] =	stream.indirect_vreg.gather [hbm4b:s5+s3], $0x80, v3, vm0, $0xb8;
	[tilespmem:$0x1E680] =	vst v63  }
0x87: {  	s16 =	simm.s32 $0x11680  }
0x88: {  	[tilespmem:s16], [sflag:$0x2] =	stream.indirect_vreg.gather [hbm4b:s6+s3], $0x80, v3, vm0, $0xb8;
	[tilespmem:$0x1E680] =	vst v63  }
0x89: {  	s14 =	simm.s32 $0x11E80  }
0x8a: {  	[tilespmem:s14], [sflag:$0x2] =	stream.indirect_vreg.gather [hbm4b:s7+s3], $0x80, v3, vm0, $0xb8;
	[tilespmem:$0x1E680] =	vst v63  }
0x8b: {  	v3 =	vld.msk [tilespmem:$0x48], $0xff;
	_ =	sdelay $0x4  }
0x8c: {  	v60 =	vshll.u32 v3, $0x3  }
0x8d: {  	v3 =	vand.u32 $0x7, v3;
	v4 =	vand.u32 $0xFFFFFFC0, v60  }
0x8e: {  	v3 =	vor.u32 v3, v4  }
0x8f: {  	v3 =	vperm.xlane v3, v0;
	_ =	sdelay $0x1  }
0x90: {  	v3 =	vadd.s32 v1, v3;
	_ =	sdelay $0x3  }
0x91: {  	s15 =	simm.s32 $0x12680  }
0x92: {  	[tilespmem:s15], [sflag:$0x2] =	stream.indirect_vreg.gather [hbm4b:s1+s3], $0x80, v3, vm0, $0xb8;
	[tilespmem:$0x1E680] =	vst v63  }
0x93: {  	s16 =	simm.s32 $0x12E80  }
0x94: {  	[tilespmem:s16], [sflag:$0x2] =	stream.indirect_vreg.gather [hbm4b:s5+s3], $0x80, v3, vm0, $0xb8;
	[tilespmem:$0x1E680] =	vst v63  }
0x95: {  	s14 =	simm.s32 $0x13680  }
0x96: {  	[tilespmem:s14], [sflag:$0x2] =	stream.indirect_vreg.gather [hbm4b:s6+s3], $0x80, v3, vm0, $0xb8;
	[tilespmem:$0x1E680] =	vst v63  }
0x97: {  	s15 =	simm.s32 $0x13E80  }
0x98: {  	[tilespmem:s15], [sflag:$0x2] =	stream.indirect_vreg.gather [hbm4b:s7+s3], $0x80, v3, vm0, $0xb8;
	[tilespmem:$0x1E680] =	vst v63  }
0x99: {  	v3 =	vld [tilespmem:$0x50];
	_ =	sdelay $0x4  }
0x9a: {  	v61 =	vshll.u32 v3, $0x3  }
0x9b: {  	v3 =	vand.u32 $0x7, v3;
	v4 =	vand.u32 $0xFFFFFFC0, v61  }
0x9c: {  	v3 =	vor.u32 v3, v4  }
0x9d: {  	v4 =	vperm.xlane v3, v0;
	_ =	sdelay $0x1  }
0x9e: {  	v4 =	vadd.s32 v1, v4;
	_ =	sdelay $0x4  }
0x9f: {  	[tilespmem:s11], [sflag:$0x3] =	stream.indirect_vreg.gather [hbm4b:s1+s3], $0x80, v4, vm0, $0xb8;
	[tilespmem:$0x1E680] =	vst v63  }
0xa0: {  	s16 =	simm.s32 $0x14E80;
	v3 =	vperm.xlane v3, v2  }
0xa1: {  	[tilespmem:s16], [sflag:$0x3] =	stream.indirect_vreg.gather [hbm4b:s5+s3], $0x80, v4, vm0, $0xb8;
	[tilespmem:$0x1E680] =	vst v63  }
0xa2: {  	s14 =	simm.s32 $0x15680;
	v3 =	vadd.s32 v1, v3  }
0xa3: {  	[tilespmem:s14], [sflag:$0x3] =	stream.indirect_vreg.gather [hbm4b:s6+s3], $0x80, v4, vm0, $0xb8;
	[tilespmem:$0x1E680] =	vst v63  }
0xa4: {  	s15 =	simm.s32 $0x15E80  }
0xa5: {  	[tilespmem:s15], [sflag:$0x3] =	stream.indirect_vreg.gather [hbm4b:s7+s3], $0x80, v4, vm0, $0xb8;
	[tilespmem:$0x1E680] =	vst v63  }
0xa6: {  	s16 =	simm.s32 $0x16680  }
0xa7: {  	[tilespmem:s16], [sflag:$0x3] =	stream.indirect_vreg.gather [hbm4b:s1+s3], $0x80, v3, vm0, $0xb8;
	[tilespmem:$0x1E680] =	vst v63  }
0xa8: {  	s14 =	simm.s32 $0x16E80  }
0xa9: {  	[tilespmem:s14], [sflag:$0x3] =	stream.indirect_vreg.gather [hbm4b:s5+s3], $0x80, v3, vm0, $0xb8;
	[tilespmem:$0x1E680] =	vst v63  }
0xaa: {  	s15 =	simm.s32 $0x17680  }
0xab: {  	[tilespmem:s15], [sflag:$0x3] =	stream.indirect_vreg.gather [hbm4b:s6+s3], $0x80, v3, vm0, $0xb8;
	[tilespmem:$0x1E680] =	vst v63  }
0xac: {  	s16 =	simm.s32 $0x17E80  }
0xad: {  	[tilespmem:s16], [sflag:$0x3] =	stream.indirect_vreg.gather [hbm4b:s7+s3], $0x80, v3, vm0, $0xb8;
	[tilespmem:$0x1E680] =	vst v63  }
0xae: {  	v3 =	vld [tilespmem:$0x60];
	_ =	sdelay $0x4  }
0xaf: {  	v62 =	vshll.u32 v3, $0x3  }
0xb0: {  	v3 =	vand.u32 $0x7, v3;
	v4 =	vand.u32 $0xFFFFFFC0, v62  }
0xb1: {  	v3 =	vor.u32 v3, v4  }
0xb2: {  	v4 =	vperm.xlane v3, v0;
	_ =	sdelay $0x1  }
0xb3: {  	v4 =	vadd.s32 v1, v4;
	_ =	sdelay $0x4  }
0xb4: {  	[tilespmem:s17], [sflag:$0x3] =	stream.indirect_vreg.gather [hbm4b:s1+s3], $0x80, v4, vm0, $0xb8;
	[tilespmem:$0x1E680] =	vst v63  }
0xb5: {  	v3 =	vperm.xlane v3, v2  }
0xb6: {  	[tilespmem:s18], [sflag:$0x3] =	stream.indirect_vreg.gather [hbm4b:s5+s3], $0x80, v4, vm0, $0xb8;
	[tilespmem:$0x1E680] =	vst v63  }
0xb7: {  	v3 =	vadd.s32 v1, v3  }
0xb8: {  	[tilespmem:s19], [sflag:$0x3] =	stream.indirect_vreg.gather [hbm4b:s6+s3], $0x80, v4, vm0, $0xb8;
	[tilespmem:$0x1E680] =	vst v63  }
0xb9: {  	_ = 	snop  }
0xba: {  	[tilespmem:s20], [sflag:$0x3] =	stream.indirect_vreg.gather [hbm4b:s7+s3], $0x80, v4, vm0, $0xb8;
	[tilespmem:$0x1E680] =	vst v63  }
0xbb: {  	_ = 	snop  }
0xbc: {  	[tilespmem:s21], [sflag:$0x3] =	stream.indirect_vreg.gather [hbm4b:s1+s3], $0x80, v3, vm0, $0xb8;
	[tilespmem:$0x1E680] =	vst v63  }
0xbd: {  	_ = 	snop  }
0xbe: {  	[tilespmem:s22], [sflag:$0x3] =	stream.indirect_vreg.gather [hbm4b:s5+s3], $0x80, v3, vm0, $0xb8;
	[tilespmem:$0x1E680] =	vst v63  }
0xbf: {  	_ = 	snop  }
0xc0: {  	[tilespmem:s23], [sflag:$0x3] =	stream.indirect_vreg.gather [hbm4b:s6+s3], $0x80, v3, vm0, $0xb8;
	[tilespmem:$0x1E680] =	vst v63  }
0xc1: {  	_ = 	snop  }
0xc2: {  	[tilespmem:s24], [sflag:$0x3] =	stream.indirect_vreg.gather [hbm4b:s7+s3], $0x80, v3, vm0, $0xb8;
	[tilespmem:$0x1E680] =	vst v63  }
0xc3: {  	v3 =	vld.msk [tilespmem:$0x70], $0xff;
	_ =	sdelay $0x4  }
0xc4: {  	v63 =	vshll.u32 v3, $0x3  }
0xc5: {  	v3 =	vand.u32 $0x7, v3;
	v4 =	vand.u32 $0xFFFFFFC0, v63  }
0xc6: {  	v3 =	vor.u32 v3, v4  }
0xc7: {  	v3 =	vperm.xlane v3, v0;
	_ =	sdelay $0x1  }
0xc8: {  	v3 =	vadd.s32 v1, v3;
	_ =	sdelay $0x4  }
0xc9: {  	[tilespmem:s25], [sflag:$0x3] =	stream.indirect_vreg.gather [hbm4b:s1+s3], $0x80, v3, vm0, $0xb8;
	[tilespmem:$0x1E680] =	vst v63  }
0xca: {  	_ = 	snop  }
0xcb: {  	[tilespmem:s26], [sflag:$0x3] =	stream.indirect_vreg.gather [hbm4b:s5+s3], $0x80, v3, vm0, $0xb8;
	[tilespmem:$0x1E680] =	vst v63  }
0xcc: {  	_ = 	snop  }
0xcd: {  	[tilespmem:s28], [sflag:$0x3] =	stream.indirect_vreg.gather [hbm4b:s6+s3], $0x80, v3, vm0, $0xb8;
	[tilespmem:$0x1E680] =	vst v63  }
0xce: {  	s13 =	simm.s32 $0xE8;
	s14 =	simm.s32 $0x0  }
0xcf: {  	[tilespmem:s29], [sflag:$0x3] =	stream.indirect_vreg.gather [hbm4b:s7+s3], $0x80, v3, vm0, $0xb8;
	[tilespmem:$0x1E680] =	vst v63  }
.LBB2_2:
0xd0: {  	_ =	swait.ge [sflag:s30], $0xA000  }
0xd1: {  	[sflag:s30] =	ssyncset.done $0x0  }
0xd2: {  	s15 =	sadd.s32 s14, s10;
	[sflag:s30] =	ssyncadd.s32 $0xFFFF6000  }
0xd3: {  	[hbm4b:s15+s3] =	stream.linear.scatter [tilespmem:s12], [sflag:$0x4], $0xA000, $0x38;
	[tilespmem:$0x1E680] =	vst v63  }
0xd4: {  	_ =	swait.ge [sflag:s31], $0xA000  }
0xd5: {  	[sflag:s31] =	ssyncset.done $0x0  }
0xd6: {  	[sflag:s31] =	ssyncadd.s32 $0xFFFF6000  }
0xd7: {  	v3 =	vld [tilespmem:s13+$0xFFFFFF90];
	_ =	sdelay $0x4  }
0xd8: {  	v4 =	vshll.u32 v3, $0x3  }
0xd9: {  	v3 =	vand.u32 $0x7, v3;
	v4 =	vand.u32 $0xFFFFFFC0, v4  }
0xda: {  	v3 =	vor.u32 v3, v4  }
0xdb: {  	v4 =	vperm.xlane v3, v0;
	_ =	sdelay $0x1  }
0xdc: {  	v4 =	vadd.s32 v1, v4;
	_ =	sdelay $0x4  }
0xdd: {  	[tilespmem:s12], [sflag:$0x1] =	stream.indirect_vreg.gather [hbm4b:s1+s3], $0x80, v4, vm0, $0xb8;
	[tilespmem:$0x1E680] =	vst v63  }
0xde: {  	s16 =	simm.s32 $0xE80;
	v3 =	vperm.xlane v3, v2  }
0xdf: {  	[tilespmem:s16], [sflag:$0x1] =	stream.indirect_vreg.gather [hbm4b:s5+s3], $0x80, v4, vm0, $0xb8;
	[tilespmem:$0x1E680] =	vst v63  }
0xe0: {  	v3 =	vadd.s32 v1, v3;
	s16 =	simm.s32 $0x1680  }
0xe1: {  	[tilespmem:s16], [sflag:$0x1] =	stream.indirect_vreg.gather [hbm4b:s6+s3], $0x80, v4, vm0, $0xb8;
	[tilespmem:$0x1E680] =	vst v63  }
0xe2: {  	s16 =	simm.s32 $0x1E80  }
0xe3: {  	[tilespmem:s16], [sflag:$0x1] =	stream.indirect_vreg.gather [hbm4b:s7+s3], $0x80, v4, vm0, $0xb8;
	[tilespmem:$0x1E680] =	vst v63  }
0xe4: {  	s16 =	simm.s32 $0x2680  }
0xe5: {  	[tilespmem:s16], [sflag:$0x1] =	stream.indirect_vreg.gather [hbm4b:s1+s3], $0x80, v3, vm0, $0xb8;
	[tilespmem:$0x1E680] =	vst v63  }
0xe6: {  	s16 =	simm.s32 $0x2E80  }
0xe7: {  	[tilespmem:s16], [sflag:$0x1] =	stream.indirect_vreg.gather [hbm4b:s5+s3], $0x80, v3, vm0, $0xb8;
	[tilespmem:$0x1E680] =	vst v63  }
0xe8: {  	s16 =	simm.s32 $0x3680  }
0xe9: {  	[tilespmem:s16], [sflag:$0x1] =	stream.indirect_vreg.gather [hbm4b:s6+s3], $0x80, v3, vm0, $0xb8;
	[tilespmem:$0x1E680] =	vst v63  }
0xea: {  	s16 =	simm.s32 $0x3E80  }
0xeb: {  	[tilespmem:s16], [sflag:$0x1] =	stream.indirect_vreg.gather [hbm4b:s7+s3], $0x80, v3, vm0, $0xb8;
	[tilespmem:$0x1E680] =	vst v63  }
0xec: {  	v3 =	vld [tilespmem:s13+$0xFFFFFFA0];
	_ =	sdelay $0x4  }
0xed: {  	v62 =	vshll.u32 v3, $0x3  }
0xee: {  	v3 =	vand.u32 $0x7, v3;
	v4 =	vand.u32 $0xFFFFFFC0, v62  }
0xef: {  	v3 =	vor.u32 v3, v4  }
0xf0: {  	v4 =	vperm.xlane v3, v0;
	_ =	sdelay $0x1  }
0xf1: {  	v4 =	vadd.s32 v1, v4;
	_ =	sdelay $0x3  }
0xf2: {  	s16 =	simm.s32 $0x4680  }
0xf3: {  	[tilespmem:s16], [sflag:$0x1] =	stream.indirect_vreg.gather [hbm4b:s1+s3], $0x80, v4, vm0, $0xb8;
	[tilespmem:$0x1E680] =	vst v63  }
0xf4: {  	v3 =	vperm.xlane v3, v2;
	s16 =	simm.s32 $0x4E80  }
0xf5: {  	[tilespmem:s16], [sflag:$0x1] =	stream.indirect_vreg.gather [hbm4b:s5+s3], $0x80, v4, vm0, $0xb8;
	[tilespmem:$0x1E680] =	vst v63  }
0xf6: {  	v3 =	vadd.s32 v1, v3;
	s16 =	simm.s32 $0x5680  }
0xf7: {  	[tilespmem:s16], [sflag:$0x1] =	stream.indirect_vreg.gather [hbm4b:s6+s3], $0x80, v4, vm0, $0xb8;
	[tilespmem:$0x1E680] =	vst v63  }
0xf8: {  	s16 =	simm.s32 $0x5E80  }
0xf9: {  	[tilespmem:s16], [sflag:$0x1] =	stream.indirect_vreg.gather [hbm4b:s7+s3], $0x80, v4, vm0, $0xb8;
	[tilespmem:$0x1E680] =	vst v63  }
0xfa: {  	s16 =	simm.s32 $0x6680  }
0xfb: {  	[tilespmem:s16], [sflag:$0x1] =	stream.indirect_vreg.gather [hbm4b:s1+s3], $0x80, v3, vm0, $0xb8;
	[tilespmem:$0x1E680] =	vst v63  }
0xfc: {  	s16 =	simm.s32 $0x6E80  }
0xfd: {  	[tilespmem:s16], [sflag:$0x1] =	stream.indirect_vreg.gather [hbm4b:s5+s3], $0x80, v3, vm0, $0xb8;
	[tilespmem:$0x1E680] =	vst v63  }
0xfe: {  	s16 =	simm.s32 $0x7680  }
0xff: {  	[tilespmem:s16], [sflag:$0x1] =	stream.indirect_vreg.gather [hbm4b:s6+s3], $0x80, v3, vm0, $0xb8;
	[tilespmem:$0x1E680] =	vst v63  }
0x100: {  	s16 =	simm.s32 $0x7E80  }
0x101: {  	[tilespmem:s16], [sflag:$0x1] =	stream.indirect_vreg.gather [hbm4b:s7+s3], $0x80, v3, vm0, $0xb8;
	[tilespmem:$0x1E680] =	vst v63  }
0x102: {  	v3 =	vld.msk [tilespmem:s13+$0xFFFFFFB0], $0xff;
	_ =	sdelay $0x4  }
0x103: {  	v63 =	vshll.u32 v3, $0x3  }
0x104: {  	v3 =	vand.u32 $0x7, v3;
	v4 =	vand.u32 $0xFFFFFFC0, v63  }
0x105: {  	v3 =	vor.u32 v3, v4  }
0x106: {  	v3 =	vperm.xlane v3, v0;
	_ =	sdelay $0x1  }
0x107: {  	v3 =	vadd.s32 v1, v3;
	_ =	sdelay $0x3  }
0x108: {  	s16 =	simm.s32 $0x8680  }
0x109: {  	[tilespmem:s16], [sflag:$0x1] =	stream.indirect_vreg.gather [hbm4b:s1+s3], $0x80, v3, vm0, $0xb8;
	[tilespmem:$0x1E680] =	vst v63  }
0x10a: {  	s16 =	simm.s32 $0x8E80  }
0x10b: {  	[tilespmem:s16], [sflag:$0x1] =	stream.indirect_vreg.gather [hbm4b:s5+s3], $0x80, v3, vm0, $0xb8;
	[tilespmem:$0x1E680] =	vst v63  }
0x10c: {  	s16 =	simm.s32 $0x9680  }
0x10d: {  	[tilespmem:s16], [sflag:$0x1] =	stream.indirect_vreg.gather [hbm4b:s6+s3], $0x80, v3, vm0, $0xb8;
	[tilespmem:$0x1E680] =	vst v63  }
0x10e: {  	s16 =	simm.s32 $0x9E80  }
0x10f: {  	[tilespmem:s16], [sflag:$0x1] =	stream.indirect_vreg.gather [hbm4b:s7+s3], $0x80, v3, vm0, $0xb8;
	[tilespmem:$0x1E680] =	vst v63  }
0x110: {  	_ =	swait.ge [sflag:s2], $0xA000  }
0x111: {  	p0 =	seq.s32 s14, $0x2D000;
	[sflag:s2] =	ssyncset.done $0x0  }
.Ltmp2:
0x112: {  	s16 =	sadd.s32 $0x1400, s15;
	[sflag:s2] =	ssyncadd.s32 $0xFFFF6000;
	(pc) =	sbr.rel @p0 .LBB2_4-.Ltmp2, $4  }
0x113: {  	[hbm4b:s16+s3] =	stream.linear.scatter [tilespmem:s0], [sflag:$0x5], $0xA000, $0x38;
	[tilespmem:$0x1E680] =	vst v63  }
0x114: {  	_ =	swait.ge [sflag:s4], $0xA000  }
0x115: {  	[sflag:s4] =	ssyncset.done $0x0  }
0x116: {  	[sflag:s4] =	ssyncadd.s32 $0xFFFF6000  }
0x117: {  	v3 =	vld [tilespmem:s13+$0xFFFFFFB8];
	_ =	sdelay $0x4  }
0x118: {  	v4 =	vshll.u32 v3, $0x3  }
0x119: {  	v3 =	vand.u32 $0x7, v3;
	v4 =	vand.u32 $0xFFFFFFC0, v4  }
0x11a: {  	v3 =	vor.u32 v3, v4  }
0x11b: {  	v4 =	vperm.xlane v3, v0;
	_ =	sdelay $0x1  }
0x11c: {  	v4 =	vadd.s32 v1, v4;
	_ =	sdelay $0x4  }
0x11d: {  	[tilespmem:s0], [sflag:$0x2] =	stream.indirect_vreg.gather [hbm4b:s1+s3], $0x80, v4, vm0, $0xb8;
	[tilespmem:$0x1E680] =	vst v63  }
0x11e: {  	s16 =	simm.s32 $0xAE80;
	v3 =	vperm.xlane v3, v2  }
0x11f: {  	[tilespmem:s16], [sflag:$0x2] =	stream.indirect_vreg.gather [hbm4b:s5+s3], $0x80, v4, vm0, $0xb8;
	[tilespmem:$0x1E680] =	vst v63  }
0x120: {  	v3 =	vadd.s32 v1, v3;
	s16 =	simm.s32 $0xB680  }
0x121: {  	[tilespmem:s16], [sflag:$0x2] =	stream.indirect_vreg.gather [hbm4b:s6+s3], $0x80, v4, vm0, $0xb8;
	[tilespmem:$0x1E680] =	vst v63  }
0x122: {  	s16 =	simm.s32 $0xBE80  }
0x123: {  	[tilespmem:s16], [sflag:$0x2] =	stream.indirect_vreg.gather [hbm4b:s7+s3], $0x80, v4, vm0, $0xb8;
	[tilespmem:$0x1E680] =	vst v63  }
0x124: {  	s16 =	simm.s32 $0xC680  }
0x125: {  	[tilespmem:s16], [sflag:$0x2] =	stream.indirect_vreg.gather [hbm4b:s1+s3], $0x80, v3, vm0, $0xb8;
	[tilespmem:$0x1E680] =	vst v63  }
0x126: {  	s16 =	simm.s32 $0xCE80  }
0x127: {  	[tilespmem:s16], [sflag:$0x2] =	stream.indirect_vreg.gather [hbm4b:s5+s3], $0x80, v3, vm0, $0xb8;
	[tilespmem:$0x1E680] =	vst v63  }
0x128: {  	s16 =	simm.s32 $0xD680  }
0x129: {  	[tilespmem:s16], [sflag:$0x2] =	stream.indirect_vreg.gather [hbm4b:s6+s3], $0x80, v3, vm0, $0xb8;
	[tilespmem:$0x1E680] =	vst v63  }
0x12a: {  	s16 =	simm.s32 $0xDE80  }
0x12b: {  	[tilespmem:s16], [sflag:$0x2] =	stream.indirect_vreg.gather [hbm4b:s7+s3], $0x80, v3, vm0, $0xb8;
	[tilespmem:$0x1E680] =	vst v63  }
0x12c: {  	v3 =	vld [tilespmem:s13+$0xFFFFFFC8];
	_ =	sdelay $0x4  }
0x12d: {  	v62 =	vshll.u32 v3, $0x3  }
0x12e: {  	v3 =	vand.u32 $0x7, v3;
	v4 =	vand.u32 $0xFFFFFFC0, v62  }
0x12f: {  	v3 =	vor.u32 v3, v4  }
0x130: {  	v4 =	vperm.xlane v3, v0;
	_ =	sdelay $0x1  }
0x131: {  	v4 =	vadd.s32 v1, v4;
	_ =	sdelay $0x3  }
0x132: {  	s16 =	simm.s32 $0xE680  }
0x133: {  	[tilespmem:s16], [sflag:$0x2] =	stream.indirect_vreg.gather [hbm4b:s1+s3], $0x80, v4, vm0, $0xb8;
	[tilespmem:$0x1E680] =	vst v63  }
0x134: {  	v3 =	vperm.xlane v3, v2;
	s16 =	simm.s32 $0xEE80  }
0x135: {  	[tilespmem:s16], [sflag:$0x2] =	stream.indirect_vreg.gather [hbm4b:s5+s3], $0x80, v4, vm0, $0xb8;
	[tilespmem:$0x1E680] =	vst v63  }
0x136: {  	v3 =	vadd.s32 v1, v3;
	s16 =	simm.s32 $0xF680  }
0x137: {  	[tilespmem:s16], [sflag:$0x2] =	stream.indirect_vreg.gather [hbm4b:s6+s3], $0x80, v4, vm0, $0xb8;
	[tilespmem:$0x1E680] =	vst v63  }
0x138: {  	s16 =	simm.s32 $0xFE80  }
0x139: {  	[tilespmem:s16], [sflag:$0x2] =	stream.indirect_vreg.gather [hbm4b:s7+s3], $0x80, v4, vm0, $0xb8;
	[tilespmem:$0x1E680] =	vst v63  }
0x13a: {  	s16 =	simm.s32 $0x10680  }
0x13b: {  	[tilespmem:s16], [sflag:$0x2] =	stream.indirect_vreg.gather [hbm4b:s1+s3], $0x80, v3, vm0, $0xb8;
	[tilespmem:$0x1E680] =	vst v63  }
0x13c: {  	s16 =	simm.s32 $0x10E80  }
0x13d: {  	[tilespmem:s16], [sflag:$0x2] =	stream.indirect_vreg.gather [hbm4b:s5+s3], $0x80, v3, vm0, $0xb8;
	[tilespmem:$0x1E680] =	vst v63  }
0x13e: {  	s16 =	simm.s32 $0x11680  }
0x13f: {  	[tilespmem:s16], [sflag:$0x2] =	stream.indirect_vreg.gather [hbm4b:s6+s3], $0x80, v3, vm0, $0xb8;
	[tilespmem:$0x1E680] =	vst v63  }
0x140: {  	s16 =	simm.s32 $0x11E80  }
0x141: {  	[tilespmem:s16], [sflag:$0x2] =	stream.indirect_vreg.gather [hbm4b:s7+s3], $0x80, v3, vm0, $0xb8;
	[tilespmem:$0x1E680] =	vst v63  }
0x142: {  	v3 =	vld.msk [tilespmem:s13+$0xFFFFFFD8], $0xff;
	_ =	sdelay $0x4  }
0x143: {  	v63 =	vshll.u32 v3, $0x3  }
0x144: {  	v3 =	vand.u32 $0x7, v3;
	v4 =	vand.u32 $0xFFFFFFC0, v63  }
0x145: {  	v3 =	vor.u32 v3, v4  }
0x146: {  	v3 =	vperm.xlane v3, v0;
	_ =	sdelay $0x1  }
0x147: {  	v3 =	vadd.s32 v1, v3;
	_ =	sdelay $0x3  }
0x148: {  	s16 =	simm.s32 $0x12680  }
0x149: {  	[tilespmem:s16], [sflag:$0x2] =	stream.indirect_vreg.gather [hbm4b:s1+s3], $0x80, v3, vm0, $0xb8;
	[tilespmem:$0x1E680] =	vst v63  }
0x14a: {  	s16 =	simm.s32 $0x12E80  }
0x14b: {  	[tilespmem:s16], [sflag:$0x2] =	stream.indirect_vreg.gather [hbm4b:s5+s3], $0x80, v3, vm0, $0xb8;
	[tilespmem:$0x1E680] =	vst v63  }
0x14c: {  	s16 =	simm.s32 $0x13680  }
0x14d: {  	[tilespmem:s16], [sflag:$0x2] =	stream.indirect_vreg.gather [hbm4b:s6+s3], $0x80, v3, vm0, $0xb8;
	[tilespmem:$0x1E680] =	vst v63  }
0x14e: {  	s16 =	simm.s32 $0x13E80  }
0x14f: {  	[tilespmem:s16], [sflag:$0x2] =	stream.indirect_vreg.gather [hbm4b:s7+s3], $0x80, v3, vm0, $0xb8;
	[tilespmem:$0x1E680] =	vst v63  }
.LBB2_4:
0x150: {  	_ =	swait.ge [sflag:s8], $0xA000  }
0x151: {  	[sflag:s8] =	ssyncset.done $0x0  }
.Ltmp3:
0x152: {  	s15 =	sadd.s32 $0x2800, s15;
	[sflag:s8] =	ssyncadd.s32 $0xFFFF6000;
	(pc) =	sbr.rel @p0 .LBB2_6-.Ltmp3, $4  }
0x153: {  	[hbm4b:s15+s3] =	stream.linear.scatter [tilespmem:s11], [sflag:$0x6], $0xA000, $0x38;
	[tilespmem:$0x1E680] =	vst v63  }
0x154: {  	_ =	swait.ge [sflag:s9], $0xA000  }
0x155: {  	[sflag:s9] =	ssyncset.done $0x0  }
0x156: {  	[sflag:s9] =	ssyncadd.s32 $0xFFFF6000  }
0x157: {  	v3 =	vld [tilespmem:s13+$0xFFFFFFE0];
	_ =	sdelay $0x4  }
0x158: {  	v4 =	vshll.u32 v3, $0x3  }
0x159: {  	v3 =	vand.u32 $0x7, v3;
	v4 =	vand.u32 $0xFFFFFFC0, v4  }
0x15a: {  	v3 =	vor.u32 v3, v4  }
0x15b: {  	v4 =	vperm.xlane v3, v0;
	_ =	sdelay $0x1  }
0x15c: {  	v4 =	vadd.s32 v1, v4;
	_ =	sdelay $0x4  }
0x15d: {  	[tilespmem:s11], [sflag:$0x3] =	stream.indirect_vreg.gather [hbm4b:s1+s3], $0x80, v4, vm0, $0xb8;
	[tilespmem:$0x1E680] =	vst v63  }
0x15e: {  	s15 =	simm.s32 $0x14E80;
	v3 =	vperm.xlane v3, v2  }
0x15f: {  	[tilespmem:s15], [sflag:$0x3] =	stream.indirect_vreg.gather [hbm4b:s5+s3], $0x80, v4, vm0, $0xb8;
	[tilespmem:$0x1E680] =	vst v63  }
0x160: {  	s16 =	simm.s32 $0x15680;
	v3 =	vadd.s32 v1, v3  }
0x161: {  	[tilespmem:s16], [sflag:$0x3] =	stream.indirect_vreg.gather [hbm4b:s6+s3], $0x80, v4, vm0, $0xb8;
	[tilespmem:$0x1E680] =	vst v63  }
0x162: {  	s16 =	simm.s32 $0x15E80  }
0x163: {  	[tilespmem:s16], [sflag:$0x3] =	stream.indirect_vreg.gather [hbm4b:s7+s3], $0x80, v4, vm0, $0xb8;
	[tilespmem:$0x1E680] =	vst v63  }
0x164: {  	s16 =	simm.s32 $0x16680  }
0x165: {  	[tilespmem:s16], [sflag:$0x3] =	stream.indirect_vreg.gather [hbm4b:s1+s3], $0x80, v3, vm0, $0xb8;
	[tilespmem:$0x1E680] =	vst v63  }
0x166: {  	s16 =	simm.s32 $0x16E80  }
0x167: {  	[tilespmem:s16], [sflag:$0x3] =	stream.indirect_vreg.gather [hbm4b:s5+s3], $0x80, v3, vm0, $0xb8;
	[tilespmem:$0x1E680] =	vst v63  }
0x168: {  	s16 =	simm.s32 $0x17680  }
0x169: {  	[tilespmem:s16], [sflag:$0x3] =	stream.indirect_vreg.gather [hbm4b:s6+s3], $0x80, v3, vm0, $0xb8;
	[tilespmem:$0x1E680] =	vst v63  }
0x16a: {  	s16 =	simm.s32 $0x17E80  }
0x16b: {  	[tilespmem:s16], [sflag:$0x3] =	stream.indirect_vreg.gather [hbm4b:s7+s3], $0x80, v3, vm0, $0xb8;
	[tilespmem:$0x1E680] =	vst v63  }
0x16c: {  	v3 =	vld [tilespmem:s13+$0xFFFFFFF0];
	_ =	sdelay $0x4  }
0x16d: {  	v62 =	vshll.u32 v3, $0x3  }
0x16e: {  	v3 =	vand.u32 $0x7, v3;
	v4 =	vand.u32 $0xFFFFFFC0, v62  }
0x16f: {  	v3 =	vor.u32 v3, v4  }
0x170: {  	v4 =	vperm.xlane v3, v0;
	_ =	sdelay $0x1  }
0x171: {  	v4 =	vadd.s32 v1, v4;
	_ =	sdelay $0x4  }
0x172: {  	[tilespmem:s17], [sflag:$0x3] =	stream.indirect_vreg.gather [hbm4b:s1+s3], $0x80, v4, vm0, $0xb8;
	[tilespmem:$0x1E680] =	vst v63  }
0x173: {  	v3 =	vperm.xlane v3, v2  }
0x174: {  	[tilespmem:s18], [sflag:$0x3] =	stream.indirect_vreg.gather [hbm4b:s5+s3], $0x80, v4, vm0, $0xb8;
	[tilespmem:$0x1E680] =	vst v63  }
0x175: {  	v3 =	vadd.s32 v1, v3  }
0x176: {  	[tilespmem:s19], [sflag:$0x3] =	stream.indirect_vreg.gather [hbm4b:s6+s3], $0x80, v4, vm0, $0xb8;
	[tilespmem:$0x1E680] =	vst v63  }
0x177: {  	_ = 	snop  }
0x178: {  	[tilespmem:s20], [sflag:$0x3] =	stream.indirect_vreg.gather [hbm4b:s7+s3], $0x80, v4, vm0, $0xb8;
	[tilespmem:$0x1E680] =	vst v63  }
0x179: {  	_ = 	snop  }
0x17a: {  	[tilespmem:s21], [sflag:$0x3] =	stream.indirect_vreg.gather [hbm4b:s1+s3], $0x80, v3, vm0, $0xb8;
	[tilespmem:$0x1E680] =	vst v63  }
0x17b: {  	_ = 	snop  }
0x17c: {  	[tilespmem:s22], [sflag:$0x3] =	stream.indirect_vreg.gather [hbm4b:s5+s3], $0x80, v3, vm0, $0xb8;
	[tilespmem:$0x1E680] =	vst v63  }
0x17d: {  	_ = 	snop  }
0x17e: {  	[tilespmem:s23], [sflag:$0x3] =	stream.indirect_vreg.gather [hbm4b:s6+s3], $0x80, v3, vm0, $0xb8;
	[tilespmem:$0x1E680] =	vst v63  }
0x17f: {  	_ = 	snop  }
0x180: {  	[tilespmem:s24], [sflag:$0x3] =	stream.indirect_vreg.gather [hbm4b:s7+s3], $0x80, v3, vm0, $0xb8;
	[tilespmem:$0x1E680] =	vst v63  }
0x181: {  	v3 =	vld.msk [tilespmem:s13+$0x0], $0xff;
	_ =	sdelay $0x4  }
0x182: {  	v63 =	vshll.u32 v3, $0x3  }
0x183: {  	v3 =	vand.u32 $0x7, v3;
	v4 =	vand.u32 $0xFFFFFFC0, v63  }
0x184: {  	v3 =	vor.u32 v3, v4  }
0x185: {  	v3 =	vperm.xlane v3, v0;
	_ =	sdelay $0x1  }
0x186: {  	v3 =	vadd.s32 v1, v3;
	_ =	sdelay $0x4  }
0x187: {  	[tilespmem:s25], [sflag:$0x3] =	stream.indirect_vreg.gather [hbm4b:s1+s3], $0x80, v3, vm0, $0xb8;
	[tilespmem:$0x1E680] =	vst v63  }
0x188: {  	_ = 	snop  }
0x189: {  	[tilespmem:s26], [sflag:$0x3] =	stream.indirect_vreg.gather [hbm4b:s5+s3], $0x80, v3, vm0, $0xb8;
	[tilespmem:$0x1E680] =	vst v63  }
.Ltmp4:
0x18a: {  	_ = 	snop;
	(pc) =	sbr.rel .LBB2_2-.Ltmp4, $4  }
0x18b: {  	_ = 	snop  }
0x18c: {  	[tilespmem:s28], [sflag:$0x3] =	stream.indirect_vreg.gather [hbm4b:s6+s3], $0x80, v3, vm0, $0xb8;
	[tilespmem:$0x1E680] =	vst v63  }
0x18d: {  	s14 =	sadd.s32 $0x3C00, s14;
	s13 =	sadd.s32 $0x78, s13  }
0x18e: {  	[tilespmem:s29], [sflag:$0x3] =	stream.indirect_vreg.gather [hbm4b:s7+s3], $0x80, v3, vm0, $0xb8;
	[tilespmem:$0x1E680] =	vst v63  }
.LBB2_7:
0x18f: {  	_ =	sfence.sel $0x180000  }
0x190: {  	[bflag:$0x0] =	sbarrier.arrive $0xFFFF  }
0x191: {  	_ =	strace $0x90000047  }
0x192: {  	s0 =	stileid.u32;
	[bflag:$0x2] =	sbarrier.arrive $0xFFFF  }
0x193: {  	p0 =	sne.s32 s0, $0x0;
	s0 =	rddreg [dreg:$0x3]  }
0x194: {  	s0 =	sadd.s32 @!p0 $0x100000, s0  }
0x195: {  	[sflag:s0] =	ssyncadd.tile.s32 @!p0 $0x1;
	_ =	shalt  }
.Lfunc_end2:
_tile_overlayer_lowered:
.L_overlay_start_2:
0x196: {  	(tag) =	ssettag $0x2  }
0x197: {  	s0 =	rddreg [dreg:$0x0];
	s2 =	stileid.u32  }
0x198: {  	s1 =	rddreg [dreg:$0x1];
	p0 =	sne.s32 s2, $0x0  }
0x199: {  	s3 =	rddreg [dreg:$0x2];
	[bflag:$0x3] =	sbarrier.arrive $0xFFFF;
	s2 =	simm.s32 @!p0 $0x1C07  }
0x19a: {  	[timem:s3], [sflag:s2] =	dma.local @!p0 [hbm:s0], s1  }
0x19b: {  	s0 =	simm.s32 @!p0 $0x7  }
0x19c: {  	_ =	swait.ge @!p0 [sflag:s0], s1  }
0x19d: {  	s1 =	ssub.s32 @!p0 $0x0, s1;
	[sflag:s0] =	ssyncset.done @!p0 $0x0  }
0x19e: {  	[sflag:s0] =	ssyncadd.s32 @!p0 s1  }
0x19f: {  	[bflag:$0x3] =	sbarrier.arrive $0xFFFF  }
0x1a0: {  	_ =	shalt  }

</sc_bundles>
